<compile_context>
chip_gen: v7x
topology: tpu7x:2x2x1
jax: 0.10.2.dev20260603
libtpu: 0.0.44.dev20260713+nightly
codegen_flags: <defaults>
</compile_context>

<pallas_src>
import functools

import jax
import jax.numpy as jnp
from jax import lax
from jax.experimental import pallas as pl
from jax.experimental.pallas import tpu as pltpu
from jax.experimental.pallas import tpu_sc as plsc

N = 10000
D = 128
QD = D // 4
NC = 2
NS = 16
NW = NC * NS
L = 16

C = 128
NB = 2
N_SP = 10240
ZR = N_SP // NS


def _sc_aggregate(x, src_r, dst_r, cpt):
    mesh = plsc.VectorSubcoreMesh(core_axis_name="c", subcore_axis_name="s")

    @functools.partial(
        pl.kernel,
        out_type=(
            jax.ShapeDtypeStruct((4, N_SP, QD), jnp.float32),
            jax.ShapeDtypeStruct((NC, N_SP), jnp.float32),
        ),
        mesh=mesh,
        compiler_params=pltpu.CompilerParams(
            needs_layout_passes=False, use_tc_tiling_on_sc=False
        ),
        scratch_types=(
            pltpu.VMEM((cpt + NB, C), jnp.int32),
            pltpu.VMEM((cpt, C), jnp.int32),
            tuple(pltpu.VMEM((C, QD), jnp.float32) for _ in range(NB)),
            pltpu.VMEM((N_SP,), jnp.float32),
            pltpu.VMEM((NS, ZR), jnp.float32),
            pltpu.VMEM_SHARED((N_SP, QD), jnp.float32),
            pltpu.VMEM_SHARED((N_SP, QD), jnp.float32),
            pltpu.VMEM_SHARED((NS, N_SP), jnp.float32),
            tuple(pltpu.SemaphoreType.DMA for _ in range(NB)),
            pltpu.SemaphoreType.DMA,
            pltpu.SemaphoreType.DMA,
        ),
    )
    def run(x_hbm, src_hbm, dst_hbm, agg_out, cnt_out,
            src_v, dst_v, bufs, cnt_v, red_v, agg_sp, x_sp, cnt_sp,
            gsems, ssem, xsem):
        rows0 = bufs[0]
        c = lax.axis_index("c")
        s = lax.axis_index("s")
        zbase = s * ZR

        zvec = jnp.zeros((L,), jnp.float32)

        def zrow(i, carry):
            for k in range(QD // L):
                rows0[i, pl.ds(k * L, L)] = zvec
            return carry

        def zcnt(i, carry):
            cnt_v[pl.ds(i * L, L)] = zvec
            return carry

        lax.fori_loop(0, N_SP // L, zcnt, 0)

        pltpu.sync_copy(src_hbm.at[s], src_v)
        pltpu.sync_copy(dst_hbm.at[s], dst_v)

        def gather_start(chunk, buf, sem):
            pltpu.async_copy(x_sp.at[src_v.at[chunk]], buf, sem)

        def gather_wait(buf, sem):
            pltpu.make_async_copy(x_sp.at[src_v.at[0]], buf, sem).wait()

        def scatter_start(chunk, buf):
            pltpu.async_copy(buf, agg_sp.at[dst_v.at[chunk]], ssem, add=True)

        def scatter_wait(buf):
            pltpu.make_async_copy(buf, agg_sp.at[dst_v.at[0]], ssem).wait()

        ones = jnp.full((L,), 1.0, jnp.float32)

        def count(chunk):
            for k in range(C // L):
                idx = dst_v[chunk, pl.ds(k * L, L)]
                plsc.addupdate_scatter(cnt_v, [idx], ones)

        SR = 632
        SRL = N - (NS - 1) * SR
        sr0 = s * SR

        def stage_start(q):
            @pl.when(s < NS - 1)
            def _():
                pltpu.async_copy(x_hbm.at[pl.ds(sr0, SR), pl.ds(q * QD, QD)],
                                 x_sp.at[pl.ds(sr0, SR)], xsem)

            @pl.when(s == NS - 1)
            def _():
                pltpu.async_copy(x_hbm.at[pl.ds(sr0, SRL), pl.ds(q * QD, QD)],
                                 x_sp.at[pl.ds(sr0, SRL)], xsem)

        def stage_wait():
            @pl.when(s < NS - 1)
            def _():
                pltpu.make_async_copy(x_hbm.at[pl.ds(0, SR), pl.ds(0, QD)],
                                      x_sp.at[pl.ds(0, SR)], xsem).wait()

            @pl.when(s == NS - 1)
            def _():
                pltpu.make_async_copy(x_hbm.at[pl.ds(0, SRL), pl.ds(0, QD)],
                                      x_sp.at[pl.ds(0, SRL)], xsem).wait()

        for p in range(2):
            q = 2 * p + c

            stage_start(q)

            lax.fori_loop(0, C, zrow, 0)
            for k in range(ZR // C):
                pltpu.sync_copy(rows0.at[pl.ds(0, C)],
                                agg_sp.at[pl.ds(zbase + k * C, C)])
            stage_wait()
            plsc.subcore_barrier()

            for b in range(NB):
                gather_start(b, bufs[b], gsems[b])

            def mbody(i, carry):
                base = NB * i
                for b in range(NB):
                    gather_wait(bufs[b], gsems[b])
                    scatter_start(base + b, bufs[b])
                if p == 0:
                    count(base)
                scatter_wait(bufs[0])
                gather_start(base + NB, bufs[0], gsems[0])
                if p == 0:
                    count(base + 1)
                scatter_wait(bufs[1])
                gather_start(base + NB + 1, bufs[1], gsems[1])
                return carry

            lax.fori_loop(0, cpt // NB, mbody, 0)
            for b in range(NB):
                gather_wait(bufs[b], gsems[b])
            plsc.subcore_barrier()

            pltpu.sync_copy(agg_sp.at[pl.ds(zbase, ZR)],
                            agg_out.at[q, pl.ds(zbase, ZR)])
            if p == 0:
                pltpu.sync_copy(cnt_v, cnt_sp.at[s])
                plsc.subcore_barrier()

        pltpu.sync_copy(cnt_sp.at[:, pl.ds(zbase, ZR)], red_v)

        def rbody(j, carry):
            acc = red_v[0, pl.ds(j * L, L)]
            for t in range(1, NS):
                acc = acc + red_v[t, pl.ds(j * L, L)]
            cnt_v[pl.ds(j * L, L)] = acc
            return carry

        lax.fori_loop(0, ZR // L, rbody, 0)
        pltpu.sync_copy(cnt_v.at[pl.ds(0, ZR)], cnt_out.at[c, pl.ds(zbase, ZR)])

    return run(x, src_r, dst_r)


def _tc_body(p_ref, cnt_ref, x_ref, wl_ref, wr_ref, b_ref, o_ref):
    agg = jnp.concatenate([p_ref[0], p_ref[1], p_ref[2], p_ref[3]], axis=-1)
    cnt = 0.5 * (cnt_ref[:, 0:1] + cnt_ref[:, 1:2])
    mean = agg / jnp.clip(cnt, 1.0, None)
    o_ref[...] = (
        jnp.dot(mean, wl_ref[...], preferred_element_type=jnp.float32)
        + jnp.dot(x_ref[...], wr_ref[...], preferred_element_type=jnp.float32)
        + b_ref[...]
    )


def _tc_finalize(agg, cnt_t, x, W_l, W_r, b2):
    br = 400
    return pl.pallas_call(
        _tc_body,
        grid=(N // br,),
        in_specs=[
            pl.BlockSpec((4, br, QD), lambda i: (0, i, 0)),
            pl.BlockSpec((br, NC), lambda i: (i, 0)),
            pl.BlockSpec((br, D), lambda i: (i, 0)),
            pl.BlockSpec((D, D), lambda i: (0, 0)),
            pl.BlockSpec((D, D), lambda i: (0, 0)),
            pl.BlockSpec((1, D), lambda i: (0, 0)),
        ],
        out_specs=pl.BlockSpec((br, D), lambda i: (i, 0)),
        out_shape=jax.ShapeDtypeStruct((N, D), jnp.float32),
    )(agg, cnt_t, x, W_l, W_r, b2)


def kernel(x, edge_index, W_l, W_r, b):
    e = edge_index.shape[1]
    src = edge_index[0].astype(jnp.int32)
    dst = edge_index[1].astype(jnp.int32)

    cpt = -(-e // (NS * C * NB)) * NB
    e_pad = NS * cpt * C
    src_p = jnp.concatenate([src, jnp.zeros((e_pad - e,), jnp.int32)])
    dst_p = jnp.concatenate([dst, jnp.full((e_pad - e,), N, jnp.int32)])
    src16 = src_p.reshape(NS, cpt, C)
    dst16 = dst_p.reshape(NS, cpt, C)
    src16 = jnp.concatenate([src16, jnp.zeros((NS, NB, C), jnp.int32)], axis=1)

    agg, cnt = _sc_aggregate(x, src16, dst16, cpt)
    return _tc_finalize(agg, cnt.T, x, W_l, W_r, b.reshape(1, D))

# --- scband reference (transcript-rebuilt; emitter-appended) ---
"""Pipeline reference for scband-na-op-27410481283133 (READ-ONLY COPY).

The authoritative reference and input builder live on the scoring server;
editing this copy changes nothing except your own understanding.
"""

import jax, jax.numpy as jnp
import numpy as np

N_NODES = 10000
N_EDGES = 320000
D = 128

def setup_inputs(seed: int = 0) -> dict:
    key = jax.random.key(seed)
    k1, k2, k3, k4, k5 = jax.random.split(key, 5)
    x = jax.random.normal(k1, (N_NODES, D), dtype=jnp.float32)
    edge_index = jax.random.randint(k2, (2, N_EDGES), 0, N_NODES, dtype=jnp.int64)
    # SAGEConv (mean aggr) parameters: lin_l applied to aggregated neighbors, lin_r to self
    W_l = jax.random.normal(k3, (D, D), dtype=jnp.float32) * (1.0 / np.sqrt(D))
    W_r = jax.random.normal(k4, (D, D), dtype=jnp.float32) * (1.0 / np.sqrt(D))
    b = jax.random.normal(k5, (D,), dtype=jnp.float32) * 0.01
    return {"x": x, "edge_index": edge_index, "W_l": W_l, "W_r": W_r, "b": b}

def reference(x, edge_index, W_l, W_r, b):
    # NaOp with primitive='sage', with_linear=False -> just SAGEConv(x, edge_index)
    src = edge_index[0]
    dst = edge_index[1]
    msgs = jnp.take(x, src, axis=0)                                   # gather [E, D]
    agg = jax.ops.segment_sum(msgs, dst, num_segments=N_NODES)        # scatter-add [N, D]
    cnt = jax.ops.segment_sum(jnp.ones((msgs.shape[0],), dtype=x.dtype), dst, num_segments=N_NODES)
    mean = agg / jnp.clip(cnt, 1.0, None)[:, None]                    # mean aggregation
    out = mean @ W_l + x @ W_r + b
    return out

if __name__ == "__main__":
    import jax
    _d = setup_inputs()
    print(jax.jit(kernel)(*tuple(_d.values())))

</pallas_src>

<mosaic_0001>
#map = affine_map<(d0, d1) -> (0, 0)>
#map1 = affine_map<(d0, d1) -> (0, 0, 0)>
module attributes {stable_mosaic.version = 14 : i64} {
  func.func @run(%arg0: i32, %arg1: i32, %arg2: memref<10000x128xf32, #tpu.memory_space<hbm>>, %arg3: memref<16x160x128xi32, #tpu.memory_space<hbm>>, %arg4: memref<16x158x128xi32, #tpu.memory_space<hbm>>, %arg5: memref<4x10240x32xf32, #tpu.memory_space<hbm>>, %arg6: memref<2x10240xf32, #tpu.memory_space<hbm>>, %arg7: memref<160x128xi32, #tpu.memory_space<vmem>>, %arg8: memref<158x128xi32, #tpu.memory_space<vmem>>, %arg9: memref<128x32xf32, #tpu.memory_space<vmem>>, %arg10: memref<128x32xf32, #tpu.memory_space<vmem>>, %arg11: memref<10240xf32, #tpu.memory_space<vmem>>, %arg12: memref<16x640xf32, #tpu.memory_space<vmem>>, %arg13: memref<10240x32xf32, #tpu.memory_space<vmem_shared>>, %arg14: memref<10240x32xf32, #tpu.memory_space<vmem_shared>>, %arg15: memref<16x10240xf32, #tpu.memory_space<vmem_shared>>, %arg16: memref<!tpu.dma_semaphore, #tpu.memory_space<semaphore_mem>>, %arg17: memref<!tpu.dma_semaphore, #tpu.memory_space<semaphore_mem>>, %arg18: memref<!tpu.dma_semaphore, #tpu.memory_space<semaphore_mem>>, %arg19: memref<!tpu.dma_semaphore, #tpu.memory_space<semaphore_mem>>) attributes {dimension_semantics = [#tpu.dimension_semantics<core_parallel>, #tpu.dimension_semantics<subcore_parallel>], iteration_bounds = array<i64: 2, 16>, scalar_prefetch = 0 : i64, scratch_operands = 13 : i64, tpu.core_type = #tpu.core_type<sc_vector_subcore>, window_params = [{transform_indices = #map}, {transform_indices = #map1}, {transform_indices = #map1}, {transform_indices = #map1}, {transform_indices = #map}]} {
    %mul3A = arith.constant 640 : i32
    %mul3A_0 = arith.muli %arg1, %mul3A : i32
    %broadcast_in_dim3A = arith.constant 0.000000e+00 : f32
    %broadcast_in_dim3A_1 = vector.broadcast %broadcast_in_dim3A : f32 to vector<16xf32>
    %scan3A = arith.constant 0 : i32
    %scan3A_2 = arith.constant 0 : i32
    %scan3A_3 = arith.constant 640 : i32
    %scan3A_4 = arith.addi %scan3A_2, %scan3A_3 : i32
    %scan3A_5 = arith.constant 1 : i32
    scf.for %scan3A_158 = %scan3A_2 to %scan3A_4 step %scan3A_5  : i32 {
      %mul3A_159 = arith.constant 16 : i32
      %mul3A_160 = arith.muli %scan3A_158, %mul3A_159 : i32
      %swap3A = arith.index_cast %mul3A_160 : i32 to index
      %swap3A_161 = tpu.vector_load %arg11[%swap3A] {strides = array<i32>} : memref<10240xf32, #tpu.memory_space<vmem>>, vector<16xf32>,
      tpu.vector_store %arg11[%swap3A], %broadcast_in_dim3A_1 {strides = array<i32>} : memref<10240xf32, #tpu.memory_space<vmem>>, vector<16xf32>,
    }
    %scan3A_6 = arith.constant 640 : i32
    "tpu.region"() ({
      %run_scoped3A = tpu.sem_alloc : memref<!tpu.dma_semaphore, #tpu.memory_space<semaphore_mem>>
      %dma_start3A_158 = arith.constant 0 : i32
      %dma_start3A_159 = arith.constant 0 : i32
      %dma_start3A_160 = tpu.memref_slice %arg3[%arg1, %dma_start3A_158, %dma_start3A_159] : memref<16x160x128xi32, #tpu.memory_space<hbm>> -> memref<1x160x128xi32, #tpu.memory_space<hbm>>
      %dma_start3A_161 = tpu.memref_squeeze %dma_start3A_160 : memref<1x160x128xi32, #tpu.memory_space<hbm>> -> memref<160x128xi32, #tpu.memory_space<hbm>>
      %dma_start3A_162 = arith.constant 0 : i32
      %dma_start3A_163 = arith.constant 0 : i32
      %dma_start3A_164 = tpu.memref_slice %arg3[%arg1, %dma_start3A_162, %dma_start3A_163] : memref<16x160x128xi32, #tpu.memory_space<hbm>> -> memref<1x160x128xi32, #tpu.memory_space<hbm>>
      %dma_start3A_165 = tpu.memref_squeeze %dma_start3A_164 : memref<1x160x128xi32, #tpu.memory_space<hbm>> -> memref<160x128xi32, #tpu.memory_space<hbm>>
      tpu.enqueue_dma source(%dma_start3A_165 : memref<160x128xi32, #tpu.memory_space<hbm>>) target(%arg7 : memref<160x128xi32, #tpu.memory_space<vmem>>) target_semaphore(%run_scoped3A : memref<!tpu.dma_semaphore, #tpu.memory_space<semaphore_mem>>)
      %dma_wait3A_166 = arith.constant 0 : i32
      %dma_wait3A_167 = arith.constant 0 : i32
      %dma_wait3A_168 = tpu.memref_slice %arg3[%arg1, %dma_wait3A_166, %dma_wait3A_167] : memref<16x160x128xi32, #tpu.memory_space<hbm>> -> memref<1x160x128xi32, #tpu.memory_space<hbm>>
      %dma_wait3A_169 = tpu.memref_squeeze %dma_wait3A_168 : memref<1x160x128xi32, #tpu.memory_space<hbm>> -> memref<160x128xi32, #tpu.memory_space<hbm>>
      %dma_wait3A_170 = arith.constant 0 : i32
      %dma_wait3A_171 = arith.constant 0 : i32
      %dma_wait3A_172 = tpu.memref_slice %arg3[%arg1, %dma_wait3A_170, %dma_wait3A_171] : memref<16x160x128xi32, #tpu.memory_space<hbm>> -> memref<1x160x128xi32, #tpu.memory_space<hbm>>
      %dma_wait3A_173 = tpu.memref_squeeze %dma_wait3A_172 : memref<1x160x128xi32, #tpu.memory_space<hbm>> -> memref<160x128xi32, #tpu.memory_space<hbm>>
      tpu.wait_dma2 semaphore(%run_scoped3A : memref<!tpu.dma_semaphore, #tpu.memory_space<semaphore_mem>>) src(%dma_wait3A_173 : memref<160x128xi32, #tpu.memory_space<hbm>>) dst(%arg7 : memref<160x128xi32, #tpu.memory_space<vmem>>)
      tpu.yield
    }) : () -> ()
    "tpu.region"() ({
      %run_scoped3A = tpu.sem_alloc : memref<!tpu.dma_semaphore, #tpu.memory_space<semaphore_mem>>
      %dma_start3A_158 = arith.constant 0 : i32
      %dma_start3A_159 = arith.constant 0 : i32
      %dma_start3A_160 = tpu.memref_slice %arg4[%arg1, %dma_start3A_158, %dma_start3A_159] : memref<16x158x128xi32, #tpu.memory_space<hbm>> -> memref<1x158x128xi32, #tpu.memory_space<hbm>>
      %dma_start3A_161 = tpu.memref_squeeze %dma_start3A_160 : memref<1x158x128xi32, #tpu.memory_space<hbm>> -> memref<158x128xi32, #tpu.memory_space<hbm>>
      %dma_start3A_162 = arith.constant 0 : i32
      %dma_start3A_163 = arith.constant 0 : i32
      %dma_start3A_164 = tpu.memref_slice %arg4[%arg1, %dma_start3A_162, %dma_start3A_163] : memref<16x158x128xi32, #tpu.memory_space<hbm>> -> memref<1x158x128xi32, #tpu.memory_space<hbm>>
      %dma_start3A_165 = tpu.memref_squeeze %dma_start3A_164 : memref<1x158x128xi32, #tpu.memory_space<hbm>> -> memref<158x128xi32, #tpu.memory_space<hbm>>
      tpu.enqueue_dma source(%dma_start3A_165 : memref<158x128xi32, #tpu.memory_space<hbm>>) target(%arg8 : memref<158x128xi32, #tpu.memory_space<vmem>>) target_semaphore(%run_scoped3A : memref<!tpu.dma_semaphore, #tpu.memory_space<semaphore_mem>>)
      %dma_wait3A_166 = arith.constant 0 : i32
      %dma_wait3A_167 = arith.constant 0 : i32
      %dma_wait3A_168 = tpu.memref_slice %arg4[%arg1, %dma_wait3A_166, %dma_wait3A_167] : memref<16x158x128xi32, #tpu.memory_space<hbm>> -> memref<1x158x128xi32, #tpu.memory_space<hbm>>
      %dma_wait3A_169 = tpu.memref_squeeze %dma_wait3A_168 : memref<1x158x128xi32, #tpu.memory_space<hbm>> -> memref<158x128xi32, #tpu.memory_space<hbm>>
      %dma_wait3A_170 = arith.constant 0 : i32
      %dma_wait3A_171 = arith.constant 0 : i32
      %dma_wait3A_172 = tpu.memref_slice %arg4[%arg1, %dma_wait3A_170, %dma_wait3A_171] : memref<16x158x128xi32, #tpu.memory_space<hbm>> -> memref<1x158x128xi32, #tpu.memory_space<hbm>>
      %dma_wait3A_173 = tpu.memref_squeeze %dma_wait3A_172 : memref<1x158x128xi32, #tpu.memory_space<hbm>> -> memref<158x128xi32, #tpu.memory_space<hbm>>
      tpu.wait_dma2 semaphore(%run_scoped3A : memref<!tpu.dma_semaphore, #tpu.memory_space<semaphore_mem>>) src(%dma_wait3A_173 : memref<158x128xi32, #tpu.memory_space<hbm>>) dst(%arg8 : memref<158x128xi32, #tpu.memory_space<vmem>>)
      tpu.yield
    }) : () -> ()
    %broadcast_in_dim3A_7 = arith.constant 1.000000e+00 : f32
    %broadcast_in_dim3A_8 = vector.broadcast %broadcast_in_dim3A_7 : f32 to vector<16xf32>
    %mul3A_9 = arith.constant 632 : i32
    %mul3A_10 = arith.muli %arg1, %mul3A_9 : i32
    %add3A = arith.constant 0 : i32
    %add3A_11 = arith.addi %add3A, %arg0 : i32
    %lt3A = arith.constant 15 : i32
    %lt3A_12 = arith.cmpi slt, %arg1, %lt3A : i32
    %convert_element_type3A = arith.extui %lt3A_12 : i1 to i32
    %cond3A = arith.constant 0 : i32
    %cond3A_13 = arith.cmpi ne, %convert_element_type3A, %cond3A : i32
    scf.if %cond3A_13 {
      %mul3A_158 = arith.constant 32 : i32
      %mul3A_159 = arith.muli %add3A_11, %mul3A_158 : i32
      %dma_start3A_160 = arith.constant 0 : i32
      %dma_start3A_161 = tpu.memref_slice %arg14[%mul3A_10, %dma_start3A_160] : memref<10240x32xf32, #tpu.memory_space<vmem_shared>> -> memref<632x32xf32, #tpu.memory_space<vmem_shared>>
      %dma_start3A_162 = tpu.memref_slice %arg2[%mul3A_10, %mul3A_159] : memref<10000x128xf32, #tpu.memory_space<hbm>> -> memref<632x32xf32, #tpu.memory_space<hbm>>
      tpu.enqueue_dma source(%dma_start3A_162 : memref<632x32xf32, #tpu.memory_space<hbm>>) target(%dma_start3A_161 : memref<632x32xf32, #tpu.memory_space<vmem_shared>>) target_semaphore(%arg19 : memref<!tpu.dma_semaphore, #tpu.memory_space<semaphore_mem>>)
    } else {
    }
    %eq3A = arith.constant 15 : i32
    %eq3A_14 = arith.cmpi eq, %arg1, %eq3A : i32
    %convert_element_type3A_15 = arith.extui %eq3A_14 : i1 to i32
    %cond3A_16 = arith.constant 0 : i32
    %cond3A_17 = arith.cmpi ne, %convert_element_type3A_15, %cond3A_16 : i32
    scf.if %cond3A_17 {
      %mul3A_158 = arith.constant 32 : i32
      %mul3A_159 = arith.muli %add3A_11, %mul3A_158 : i32
      %dma_start3A_160 = arith.constant 0 : i32
      %dma_start3A_161 = tpu.memref_slice %arg14[%mul3A_10, %dma_start3A_160] : memref<10240x32xf32, #tpu.memory_space<vmem_shared>> -> memref<520x32xf32, #tpu.memory_space<vmem_shared>>
      %dma_start3A_162 = tpu.memref_slice %arg2[%mul3A_10, %mul3A_159] : memref<10000x128xf32, #tpu.memory_space<hbm>> -> memref<520x32xf32, #tpu.memory_space<hbm>>
      tpu.enqueue_dma source(%dma_start3A_162 : memref<520x32xf32, #tpu.memory_space<hbm>>) target(%dma_start3A_161 : memref<520x32xf32, #tpu.memory_space<vmem_shared>>) target_semaphore(%arg19 : memref<!tpu.dma_semaphore, #tpu.memory_space<semaphore_mem>>)
    } else {
    }
    %scan3A_18 = arith.constant 0 : i32
    %scan3A_19 = arith.constant 0 : i32
    %scan3A_20 = arith.constant 128 : i32
    %scan3A_21 = arith.addi %scan3A_19, %scan3A_20 : i32
    %scan3A_22 = arith.constant 1 : i32
    scf.for %scan3A_158 = %scan3A_19 to %scan3A_21 step %scan3A_22  : i32 {
      %swap3A = arith.index_cast %scan3A_158 : i32 to index
      %swap3A_159 = arith.constant 0 : index
      %swap3A_160 = tpu.vector_load %arg9[%swap3A, %swap3A_159] {strides = array<i32>} : memref<128x32xf32, #tpu.memory_space<vmem>>, vector<16xf32>,
      tpu.vector_store %arg9[%swap3A, %swap3A_159], %broadcast_in_dim3A_1 {strides = array<i32>} : memref<128x32xf32, #tpu.memory_space<vmem>>, vector<16xf32>,
      %swap3A_161 = arith.index_cast %scan3A_158 : i32 to index
      %swap3A_162 = arith.constant 16 : index
      %swap3A_163 = tpu.vector_load %arg9[%swap3A_161, %swap3A_162] {strides = array<i32>} : memref<128x32xf32, #tpu.memory_space<vmem>>, vector<16xf32>,
      tpu.vector_store %arg9[%swap3A_161, %swap3A_162], %broadcast_in_dim3A_1 {strides = array<i32>} : memref<128x32xf32, #tpu.memory_space<vmem>>, vector<16xf32>,
    }
    %scan3A_23 = arith.constant 128 : i32
    %add3A_24 = arith.constant 0 : i32
    %add3A_25 = arith.addi %mul3A_0, %add3A_24 : i32
    "tpu.region"() ({
      %run_scoped3A = tpu.sem_alloc : memref<!tpu.dma_semaphore, #tpu.memory_space<semaphore_mem>>
      %dma_start3A_158 = arith.constant 0 : i32
      %dma_start3A_159 = arith.constant 0 : i32
      %dma_start3A_160 = tpu.memref_slice %arg9[%dma_start3A_158, %dma_start3A_159] : memref<128x32xf32, #tpu.memory_space<vmem>> -> memref<128x32xf32, #tpu.memory_space<vmem>>
      %dma_start3A_161 = arith.constant 0 : i32
      %dma_start3A_162 = tpu.memref_slice %arg13[%add3A_25, %dma_start3A_161] : memref<10240x32xf32, #tpu.memory_space<vmem_shared>> -> memref<128x32xf32, #tpu.memory_space<vmem_shared>>
      %dma_start3A_163 = arith.constant 0 : i32
      %dma_start3A_164 = tpu.memref_slice %arg13[%add3A_25, %dma_start3A_163] : memref<10240x32xf32, #tpu.memory_space<vmem_shared>> -> memref<128x32xf32, #tpu.memory_space<vmem_shared>>
      %dma_start3A_165 = arith.constant 0 : i32
      %dma_start3A_166 = arith.constant 0 : i32
      %dma_start3A_167 = tpu.memref_slice %arg9[%dma_start3A_165, %dma_start3A_166] : memref<128x32xf32, #tpu.memory_space<vmem>> -> memref<128x32xf32, #tpu.memory_space<vmem>>
      tpu.enqueue_dma source(%dma_start3A_167 : memref<128x32xf32, #tpu.memory_space<vmem>>) target(%dma_start3A_164 : memref<128x32xf32, #tpu.memory_space<vmem_shared>>) target_semaphore(%run_scoped3A : memref<!tpu.dma_semaphore, #tpu.memory_space<semaphore_mem>>)
      %dma_wait3A_168 = arith.constant 0 : i32
      %dma_wait3A_169 = arith.constant 0 : i32
      %dma_wait3A_170 = tpu.memref_slice %arg9[%dma_wait3A_168, %dma_wait3A_169] : memref<128x32xf32, #tpu.memory_space<vmem>> -> memref<128x32xf32, #tpu.memory_space<vmem>>
      %dma_wait3A_171 = arith.constant 0 : i32
      %dma_wait3A_172 = tpu.memref_slice %arg13[%add3A_25, %dma_wait3A_171] : memref<10240x32xf32, #tpu.memory_space<vmem_shared>> -> memref<128x32xf32, #tpu.memory_space<vmem_shared>>
      %dma_wait3A_173 = arith.constant 0 : i32
      %dma_wait3A_174 = tpu.memref_slice %arg13[%add3A_25, %dma_wait3A_173] : memref<10240x32xf32, #tpu.memory_space<vmem_shared>> -> memref<128x32xf32, #tpu.memory_space<vmem_shared>>
      %dma_wait3A_175 = arith.constant 0 : i32
      %dma_wait3A_176 = arith.constant 0 : i32
      %dma_wait3A_177 = tpu.memref_slice %arg9[%dma_wait3A_175, %dma_wait3A_176] : memref<128x32xf32, #tpu.memory_space<vmem>> -> memref<128x32xf32, #tpu.memory_space<vmem>>
      tpu.wait_dma2 semaphore(%run_scoped3A : memref<!tpu.dma_semaphore, #tpu.memory_space<semaphore_mem>>) src(%dma_wait3A_177 : memref<128x32xf32, #tpu.memory_space<vmem>>) dst(%dma_wait3A_174 : memref<128x32xf32, #tpu.memory_space<vmem_shared>>)
      tpu.yield
    }) : () -> ()
    %add3A_26 = arith.constant 128 : i32
    %add3A_27 = arith.addi %mul3A_0, %add3A_26 : i32
    "tpu.region"() ({
      %run_scoped3A = tpu.sem_alloc : memref<!tpu.dma_semaphore, #tpu.memory_space<semaphore_mem>>
      %dma_start3A_158 = arith.constant 0 : i32
      %dma_start3A_159 = arith.constant 0 : i32
      %dma_start3A_160 = tpu.memref_slice %arg9[%dma_start3A_158, %dma_start3A_159] : memref<128x32xf32, #tpu.memory_space<vmem>> -> memref<128x32xf32, #tpu.memory_space<vmem>>
      %dma_start3A_161 = arith.constant 0 : i32
      %dma_start3A_162 = tpu.memref_slice %arg13[%add3A_27, %dma_start3A_161] : memref<10240x32xf32, #tpu.memory_space<vmem_shared>> -> memref<128x32xf32, #tpu.memory_space<vmem_shared>>
      %dma_start3A_163 = arith.constant 0 : i32
      %dma_start3A_164 = tpu.memref_slice %arg13[%add3A_27, %dma_start3A_163] : memref<10240x32xf32, #tpu.memory_space<vmem_shared>> -> memref<128x32xf32, #tpu.memory_space<vmem_shared>>
      %dma_start3A_165 = arith.constant 0 : i32
      %dma_start3A_166 = arith.constant 0 : i32
      %dma_start3A_167 = tpu.memref_slice %arg9[%dma_start3A_165, %dma_start3A_166] : memref<128x32xf32, #tpu.memory_space<vmem>> -> memref<128x32xf32, #tpu.memory_space<vmem>>
      tpu.enqueue_dma source(%dma_start3A_167 : memref<128x32xf32, #tpu.memory_space<vmem>>) target(%dma_start3A_164 : memref<128x32xf32, #tpu.memory_space<vmem_shared>>) target_semaphore(%run_scoped3A : memref<!tpu.dma_semaphore, #tpu.memory_space<semaphore_mem>>)
      %dma_wait3A_168 = arith.constant 0 : i32
      %dma_wait3A_169 = arith.constant 0 : i32
      %dma_wait3A_170 = tpu.memref_slice %arg9[%dma_wait3A_168, %dma_wait3A_169] : memref<128x32xf32, #tpu.memory_space<vmem>> -> memref<128x32xf32, #tpu.memory_space<vmem>>
      %dma_wait3A_171 = arith.constant 0 : i32
      %dma_wait3A_172 = tpu.memref_slice %arg13[%add3A_27, %dma_wait3A_171] : memref<10240x32xf32, #tpu.memory_space<vmem_shared>> -> memref<128x32xf32, #tpu.memory_space<vmem_shared>>
      %dma_wait3A_173 = arith.constant 0 : i32
      %dma_wait3A_174 = tpu.memref_slice %arg13[%add3A_27, %dma_wait3A_173] : memref<10240x32xf32, #tpu.memory_space<vmem_shared>> -> memref<128x32xf32, #tpu.memory_space<vmem_shared>>
      %dma_wait3A_175 = arith.constant 0 : i32
      %dma_wait3A_176 = arith.constant 0 : i32
      %dma_wait3A_177 = tpu.memref_slice %arg9[%dma_wait3A_175, %dma_wait3A_176] : memref<128x32xf32, #tpu.memory_space<vmem>> -> memref<128x32xf32, #tpu.memory_space<vmem>>
      tpu.wait_dma2 semaphore(%run_scoped3A : memref<!tpu.dma_semaphore, #tpu.memory_space<semaphore_mem>>) src(%dma_wait3A_177 : memref<128x32xf32, #tpu.memory_space<vmem>>) dst(%dma_wait3A_174 : memref<128x32xf32, #tpu.memory_space<vmem_shared>>)
      tpu.yield
    }) : () -> ()
    %add3A_28 = arith.constant 256 : i32
    %add3A_29 = arith.addi %mul3A_0, %add3A_28 : i32
    "tpu.region"() ({
      %run_scoped3A = tpu.sem_alloc : memref<!tpu.dma_semaphore, #tpu.memory_space<semaphore_mem>>
      %dma_start3A_158 = arith.constant 0 : i32
      %dma_start3A_159 = arith.constant 0 : i32
      %dma_start3A_160 = tpu.memref_slice %arg9[%dma_start3A_158, %dma_start3A_159] : memref<128x32xf32, #tpu.memory_space<vmem>> -> memref<128x32xf32, #tpu.memory_space<vmem>>
      %dma_start3A_161 = arith.constant 0 : i32
      %dma_start3A_162 = tpu.memref_slice %arg13[%add3A_29, %dma_start3A_161] : memref<10240x32xf32, #tpu.memory_space<vmem_shared>> -> memref<128x32xf32, #tpu.memory_space<vmem_shared>>
      %dma_start3A_163 = arith.constant 0 : i32
      %dma_start3A_164 = tpu.memref_slice %arg13[%add3A_29, %dma_start3A_163] : memref<10240x32xf32, #tpu.memory_space<vmem_shared>> -> memref<128x32xf32, #tpu.memory_space<vmem_shared>>
      %dma_start3A_165 = arith.constant 0 : i32
      %dma_start3A_166 = arith.constant 0 : i32
      %dma_start3A_167 = tpu.memref_slice %arg9[%dma_start3A_165, %dma_start3A_166] : memref<128x32xf32, #tpu.memory_space<vmem>> -> memref<128x32xf32, #tpu.memory_space<vmem>>
      tpu.enqueue_dma source(%dma_start3A_167 : memref<128x32xf32, #tpu.memory_space<vmem>>) target(%dma_start3A_164 : memref<128x32xf32, #tpu.memory_space<vmem_shared>>) target_semaphore(%run_scoped3A : memref<!tpu.dma_semaphore, #tpu.memory_space<semaphore_mem>>)
      %dma_wait3A_168 = arith.constant 0 : i32
      %dma_wait3A_169 = arith.constant 0 : i32
      %dma_wait3A_170 = tpu.memref_slice %arg9[%dma_wait3A_168, %dma_wait3A_169] : memref<128x32xf32, #tpu.memory_space<vmem>> -> memref<128x32xf32, #tpu.memory_space<vmem>>
      %dma_wait3A_171 = arith.constant 0 : i32
      %dma_wait3A_172 = tpu.memref_slice %arg13[%add3A_29, %dma_wait3A_171] : memref<10240x32xf32, #tpu.memory_space<vmem_shared>> -> memref<128x32xf32, #tpu.memory_space<vmem_shared>>
      %dma_wait3A_173 = arith.constant 0 : i32
      %dma_wait3A_174 = tpu.memref_slice %arg13[%add3A_29, %dma_wait3A_173] : memref<10240x32xf32, #tpu.memory_space<vmem_shared>> -> memref<128x32xf32, #tpu.memory_space<vmem_shared>>
      %dma_wait3A_175 = arith.constant 0 : i32
      %dma_wait3A_176 = arith.constant 0 : i32
      %dma_wait3A_177 = tpu.memref_slice %arg9[%dma_wait3A_175, %dma_wait3A_176] : memref<128x32xf32, #tpu.memory_space<vmem>> -> memref<128x32xf32, #tpu.memory_space<vmem>>
      tpu.wait_dma2 semaphore(%run_scoped3A : memref<!tpu.dma_semaphore, #tpu.memory_space<semaphore_mem>>) src(%dma_wait3A_177 : memref<128x32xf32, #tpu.memory_space<vmem>>) dst(%dma_wait3A_174 : memref<128x32xf32, #tpu.memory_space<vmem_shared>>)
      tpu.yield
    }) : () -> ()
    %add3A_30 = arith.constant 384 : i32
    %add3A_31 = arith.addi %mul3A_0, %add3A_30 : i32
    "tpu.region"() ({
      %run_scoped3A = tpu.sem_alloc : memref<!tpu.dma_semaphore, #tpu.memory_space<semaphore_mem>>
      %dma_start3A_158 = arith.constant 0 : i32
      %dma_start3A_159 = arith.constant 0 : i32
      %dma_start3A_160 = tpu.memref_slice %arg9[%dma_start3A_158, %dma_start3A_159] : memref<128x32xf32, #tpu.memory_space<vmem>> -> memref<128x32xf32, #tpu.memory_space<vmem>>
      %dma_start3A_161 = arith.constant 0 : i32
      %dma_start3A_162 = tpu.memref_slice %arg13[%add3A_31, %dma_start3A_161] : memref<10240x32xf32, #tpu.memory_space<vmem_shared>> -> memref<128x32xf32, #tpu.memory_space<vmem_shared>>
      %dma_start3A_163 = arith.constant 0 : i32
      %dma_start3A_164 = tpu.memref_slice %arg13[%add3A_31, %dma_start3A_163] : memref<10240x32xf32, #tpu.memory_space<vmem_shared>> -> memref<128x32xf32, #tpu.memory_space<vmem_shared>>
      %dma_start3A_165 = arith.constant 0 : i32
      %dma_start3A_166 = arith.constant 0 : i32
      %dma_start3A_167 = tpu.memref_slice %arg9[%dma_start3A_165, %dma_start3A_166] : memref<128x32xf32, #tpu.memory_space<vmem>> -> memref<128x32xf32, #tpu.memory_space<vmem>>
      tpu.enqueue_dma source(%dma_start3A_167 : memref<128x32xf32, #tpu.memory_space<vmem>>) target(%dma_start3A_164 : memref<128x32xf32, #tpu.memory_space<vmem_shared>>) target_semaphore(%run_scoped3A : memref<!tpu.dma_semaphore, #tpu.memory_space<semaphore_mem>>)
      %dma_wait3A_168 = arith.constant 0 : i32
      %dma_wait3A_169 = arith.constant 0 : i32
      %dma_wait3A_170 = tpu.memref_slice %arg9[%dma_wait3A_168, %dma_wait3A_169] : memref<128x32xf32, #tpu.memory_space<vmem>> -> memref<128x32xf32, #tpu.memory_space<vmem>>
      %dma_wait3A_171 = arith.constant 0 : i32
      %dma_wait3A_172 = tpu.memref_slice %arg13[%add3A_31, %dma_wait3A_171] : memref<10240x32xf32, #tpu.memory_space<vmem_shared>> -> memref<128x32xf32, #tpu.memory_space<vmem_shared>>
      %dma_wait3A_173 = arith.constant 0 : i32
      %dma_wait3A_174 = tpu.memref_slice %arg13[%add3A_31, %dma_wait3A_173] : memref<10240x32xf32, #tpu.memory_space<vmem_shared>> -> memref<128x32xf32, #tpu.memory_space<vmem_shared>>
      %dma_wait3A_175 = arith.constant 0 : i32
      %dma_wait3A_176 = arith.constant 0 : i32
      %dma_wait3A_177 = tpu.memref_slice %arg9[%dma_wait3A_175, %dma_wait3A_176] : memref<128x32xf32, #tpu.memory_space<vmem>> -> memref<128x32xf32, #tpu.memory_space<vmem>>
      tpu.wait_dma2 semaphore(%run_scoped3A : memref<!tpu.dma_semaphore, #tpu.memory_space<semaphore_mem>>) src(%dma_wait3A_177 : memref<128x32xf32, #tpu.memory_space<vmem>>) dst(%dma_wait3A_174 : memref<128x32xf32, #tpu.memory_space<vmem_shared>>)
      tpu.yield
    }) : () -> ()
    %add3A_32 = arith.constant 512 : i32
    %add3A_33 = arith.addi %mul3A_0, %add3A_32 : i32
    "tpu.region"() ({
      %run_scoped3A = tpu.sem_alloc : memref<!tpu.dma_semaphore, #tpu.memory_space<semaphore_mem>>
      %dma_start3A_158 = arith.constant 0 : i32
      %dma_start3A_159 = arith.constant 0 : i32
      %dma_start3A_160 = tpu.memref_slice %arg9[%dma_start3A_158, %dma_start3A_159] : memref<128x32xf32, #tpu.memory_space<vmem>> -> memref<128x32xf32, #tpu.memory_space<vmem>>
      %dma_start3A_161 = arith.constant 0 : i32
      %dma_start3A_162 = tpu.memref_slice %arg13[%add3A_33, %dma_start3A_161] : memref<10240x32xf32, #tpu.memory_space<vmem_shared>> -> memref<128x32xf32, #tpu.memory_space<vmem_shared>>
      %dma_start3A_163 = arith.constant 0 : i32
      %dma_start3A_164 = tpu.memref_slice %arg13[%add3A_33, %dma_start3A_163] : memref<10240x32xf32, #tpu.memory_space<vmem_shared>> -> memref<128x32xf32, #tpu.memory_space<vmem_shared>>
      %dma_start3A_165 = arith.constant 0 : i32
      %dma_start3A_166 = arith.constant 0 : i32
      %dma_start3A_167 = tpu.memref_slice %arg9[%dma_start3A_165, %dma_start3A_166] : memref<128x32xf32, #tpu.memory_space<vmem>> -> memref<128x32xf32, #tpu.memory_space<vmem>>
      tpu.enqueue_dma source(%dma_start3A_167 : memref<128x32xf32, #tpu.memory_space<vmem>>) target(%dma_start3A_164 : memref<128x32xf32, #tpu.memory_space<vmem_shared>>) target_semaphore(%run_scoped3A : memref<!tpu.dma_semaphore, #tpu.memory_space<semaphore_mem>>)
      %dma_wait3A_168 = arith.constant 0 : i32
      %dma_wait3A_169 = arith.constant 0 : i32
      %dma_wait3A_170 = tpu.memref_slice %arg9[%dma_wait3A_168, %dma_wait3A_169] : memref<128x32xf32, #tpu.memory_space<vmem>> -> memref<128x32xf32, #tpu.memory_space<vmem>>
      %dma_wait3A_171 = arith.constant 0 : i32
      %dma_wait3A_172 = tpu.memref_slice %arg13[%add3A_33, %dma_wait3A_171] : memref<10240x32xf32, #tpu.memory_space<vmem_shared>> -> memref<128x32xf32, #tpu.memory_space<vmem_shared>>
      %dma_wait3A_173 = arith.constant 0 : i32
      %dma_wait3A_174 = tpu.memref_slice %arg13[%add3A_33, %dma_wait3A_173] : memref<10240x32xf32, #tpu.memory_space<vmem_shared>> -> memref<128x32xf32, #tpu.memory_space<vmem_shared>>
      %dma_wait3A_175 = arith.constant 0 : i32
      %dma_wait3A_176 = arith.constant 0 : i32
      %dma_wait3A_177 = tpu.memref_slice %arg9[%dma_wait3A_175, %dma_wait3A_176] : memref<128x32xf32, #tpu.memory_space<vmem>> -> memref<128x32xf32, #tpu.memory_space<vmem>>
      tpu.wait_dma2 semaphore(%run_scoped3A : memref<!tpu.dma_semaphore, #tpu.memory_space<semaphore_mem>>) src(%dma_wait3A_177 : memref<128x32xf32, #tpu.memory_space<vmem>>) dst(%dma_wait3A_174 : memref<128x32xf32, #tpu.memory_space<vmem_shared>>)
      tpu.yield
    }) : () -> ()
    %lt3A_34 = arith.constant 15 : i32
    %lt3A_35 = arith.cmpi slt, %arg1, %lt3A_34 : i32
    %convert_element_type3A_36 = arith.extui %lt3A_35 : i1 to i32
    %cond3A_37 = arith.constant 0 : i32
    %cond3A_38 = arith.cmpi ne, %convert_element_type3A_36, %cond3A_37 : i32
    scf.if %cond3A_38 {
      %dma_wait3A_158 = arith.constant 0 : i32
      %dma_wait3A_159 = arith.constant 0 : i32
      %dma_wait3A_160 = tpu.memref_slice %arg14[%dma_wait3A_158, %dma_wait3A_159] : memref<10240x32xf32, #tpu.memory_space<vmem_shared>> -> memref<632x32xf32, #tpu.memory_space<vmem_shared>>
      %dma_wait3A_161 = arith.constant 0 : i32
      %dma_wait3A_162 = arith.constant 0 : i32
      %dma_wait3A_163 = tpu.memref_slice %arg2[%dma_wait3A_161, %dma_wait3A_162] : memref<10000x128xf32, #tpu.memory_space<hbm>> -> memref<632x32xf32, #tpu.memory_space<hbm>>
      tpu.wait_dma2 semaphore(%arg19 : memref<!tpu.dma_semaphore, #tpu.memory_space<semaphore_mem>>) src(%dma_wait3A_163 : memref<632x32xf32, #tpu.memory_space<hbm>>) dst(%dma_wait3A_160 : memref<632x32xf32, #tpu.memory_space<vmem_shared>>)
    } else {
    }
    %eq3A_39 = arith.constant 15 : i32
    %eq3A_40 = arith.cmpi eq, %arg1, %eq3A_39 : i32
    %convert_element_type3A_41 = arith.extui %eq3A_40 : i1 to i32
    %cond3A_42 = arith.constant 0 : i32
    %cond3A_43 = arith.cmpi ne, %convert_element_type3A_41, %cond3A_42 : i32
    scf.if %cond3A_43 {
      %dma_wait3A_158 = arith.constant 0 : i32
      %dma_wait3A_159 = arith.constant 0 : i32
      %dma_wait3A_160 = tpu.memref_slice %arg14[%dma_wait3A_158, %dma_wait3A_159] : memref<10240x32xf32, #tpu.memory_space<vmem_shared>> -> memref<520x32xf32, #tpu.memory_space<vmem_shared>>
      %dma_wait3A_161 = arith.constant 0 : i32
      %dma_wait3A_162 = arith.constant 0 : i32
      %dma_wait3A_163 = tpu.memref_slice %arg2[%dma_wait3A_161, %dma_wait3A_162] : memref<10000x128xf32, #tpu.memory_space<hbm>> -> memref<520x32xf32, #tpu.memory_space<hbm>>
      tpu.wait_dma2 semaphore(%arg19 : memref<!tpu.dma_semaphore, #tpu.memory_space<semaphore_mem>>) src(%dma_wait3A_163 : memref<520x32xf32, #tpu.memory_space<hbm>>) dst(%dma_wait3A_160 : memref<520x32xf32, #tpu.memory_space<vmem_shared>>)
    } else {
    }
    %barrier3A = arith.constant 0 : index
    tpu.barrier barrier_id(%barrier3A)
    %dma_start3A = arith.constant 0 : i32
    %dma_start3A_44 = arith.constant 0 : i32
    %dma_start3A_45 = tpu.memref_slice %arg7[%dma_start3A, %dma_start3A_44] : memref<160x128xi32, #tpu.memory_space<vmem>> -> memref<1x128xi32, #tpu.memory_space<vmem>>
    %dma_start3A_46 = tpu.memref_squeeze %dma_start3A_45 : memref<1x128xi32, #tpu.memory_space<vmem>> -> memref<128xi32, #tpu.memory_space<vmem>>
    %dma_start3A_47 = arith.constant 0 : i32
    %dma_start3A_48 = arith.constant 0 : i32
    %dma_start3A_49 = tpu.memref_slice %arg14[%dma_start3A_47, %dma_start3A_48] : memref<10240x32xf32, #tpu.memory_space<vmem_shared>> -> memref<10240x32xf32, #tpu.memory_space<vmem_shared>>
    tpu.enqueue_indirect_dma source(%dma_start3A_49 : memref<10240x32xf32, #tpu.memory_space<vmem_shared>>) target(%arg9 : memref<128x32xf32, #tpu.memory_space<vmem>>) offsets(%dma_start3A_46 : memref<128xi32, #tpu.memory_space<vmem>>) semaphore(%arg16 : memref<!tpu.dma_semaphore, #tpu.memory_space<semaphore_mem>>)
    %dma_start3A_50 = arith.constant 1 : i32
    %dma_start3A_51 = arith.constant 0 : i32
    %dma_start3A_52 = tpu.memref_slice %arg7[%dma_start3A_50, %dma_start3A_51] : memref<160x128xi32, #tpu.memory_space<vmem>> -> memref<1x128xi32, #tpu.memory_space<vmem>>
    %dma_start3A_53 = tpu.memref_squeeze %dma_start3A_52 : memref<1x128xi32, #tpu.memory_space<vmem>> -> memref<128xi32, #tpu.memory_space<vmem>>
    %dma_start3A_54 = arith.constant 0 : i32
    %dma_start3A_55 = arith.constant 0 : i32
    %dma_start3A_56 = tpu.memref_slice %arg14[%dma_start3A_54, %dma_start3A_55] : memref<10240x32xf32, #tpu.memory_space<vmem_shared>> -> memref<10240x32xf32, #tpu.memory_space<vmem_shared>>
    tpu.enqueue_indirect_dma source(%dma_start3A_56 : memref<10240x32xf32, #tpu.memory_space<vmem_shared>>) target(%arg10 : memref<128x32xf32, #tpu.memory_space<vmem>>) offsets(%dma_start3A_53 : memref<128xi32, #tpu.memory_space<vmem>>) semaphore(%arg17 : memref<!tpu.dma_semaphore, #tpu.memory_space<semaphore_mem>>)
    %scan3A_57 = arith.constant 0 : i32
    %scan3A_58 = arith.constant 0 : i32
    %scan3A_59 = arith.constant 79 : i32
    %scan3A_60 = arith.addi %scan3A_58, %scan3A_59 : i32
    %scan3A_61 = arith.constant 1 : i32
    scf.for %scan3A_158 = %scan3A_58 to %scan3A_60 step %scan3A_61  : i32 {
      %mul3A_159 = arith.constant 2 : i32
      %mul3A_160 = arith.muli %mul3A_159, %scan3A_158 : i32
      %dma_wait3A_161 = arith.constant 0 : i32
      %dma_wait3A_162 = arith.constant 0 : i32
      %dma_wait3A_163 = tpu.memref_slice %arg7[%dma_wait3A_161, %dma_wait3A_162] : memref<160x128xi32, #tpu.memory_space<vmem>> -> memref<1x128xi32, #tpu.memory_space<vmem>>
      %dma_wait3A_164 = tpu.memref_squeeze %dma_wait3A_163 : memref<1x128xi32, #tpu.memory_space<vmem>> -> memref<128xi32, #tpu.memory_space<vmem>>
      %dma_wait3A_165 = arith.constant 0 : i32
      %dma_wait3A_166 = arith.constant 0 : i32
      %dma_wait3A_167 = tpu.memref_slice %arg14[%dma_wait3A_165, %dma_wait3A_166] : memref<10240x32xf32, #tpu.memory_space<vmem_shared>> -> memref<10240x32xf32, #tpu.memory_space<vmem_shared>>
      tpu.wait_indirect_dma semaphore(%arg16 : memref<!tpu.dma_semaphore, #tpu.memory_space<semaphore_mem>>) src(%dma_wait3A_167 : memref<10240x32xf32, #tpu.memory_space<vmem_shared>>) dst(%arg9 : memref<128x32xf32, #tpu.memory_space<vmem>>)
      %add3A_168 = arith.constant 0 : i32
      %add3A_169 = arith.addi %mul3A_160, %add3A_168 : i32
      %dma_start3A_170 = arith.constant 0 : i32
      %dma_start3A_171 = tpu.memref_slice %arg8[%add3A_169, %dma_start3A_170] : memref<158x128xi32, #tpu.memory_space<vmem>> -> memref<1x128xi32, #tpu.memory_space<vmem>>
      %dma_start3A_172 = tpu.memref_squeeze %dma_start3A_171 : memref<1x128xi32, #tpu.memory_space<vmem>> -> memref<128xi32, #tpu.memory_space<vmem>>
      %dma_start3A_173 = arith.constant 0 : i32
      %dma_start3A_174 = arith.constant 0 : i32
      %dma_start3A_175 = tpu.memref_slice %arg13[%dma_start3A_173, %dma_start3A_174] : memref<10240x32xf32, #tpu.memory_space<vmem_shared>> -> memref<10240x32xf32, #tpu.memory_space<vmem_shared>>
      tpu.enqueue_indirect_dma source(%arg9 : memref<128x32xf32, #tpu.memory_space<vmem>>) target(%dma_start3A_175 : memref<10240x32xf32, #tpu.memory_space<vmem_shared>>) offsets(%dma_start3A_172 : memref<128xi32, #tpu.memory_space<vmem>>) semaphore(%arg18 : memref<!tpu.dma_semaphore, #tpu.memory_space<semaphore_mem>>) {add = true}
      %dma_wait3A_176 = arith.constant 0 : i32
      %dma_wait3A_177 = arith.constant 0 : i32
      %dma_wait3A_178 = tpu.memref_slice %arg7[%dma_wait3A_176, %dma_wait3A_177] : memref<160x128xi32, #tpu.memory_space<vmem>> -> memref<1x128xi32, #tpu.memory_space<vmem>>
      %dma_wait3A_179 = tpu.memref_squeeze %dma_wait3A_178 : memref<1x128xi32, #tpu.memory_space<vmem>> -> memref<128xi32, #tpu.memory_space<vmem>>
      %dma_wait3A_180 = arith.constant 0 : i32
      %dma_wait3A_181 = arith.constant 0 : i32
      %dma_wait3A_182 = tpu.memref_slice %arg14[%dma_wait3A_180, %dma_wait3A_181] : memref<10240x32xf32, #tpu.memory_space<vmem_shared>> -> memref<10240x32xf32, #tpu.memory_space<vmem_shared>>
      tpu.wait_indirect_dma semaphore(%arg17 : memref<!tpu.dma_semaphore, #tpu.memory_space<semaphore_mem>>) src(%dma_wait3A_182 : memref<10240x32xf32, #tpu.memory_space<vmem_shared>>) dst(%arg10 : memref<128x32xf32, #tpu.memory_space<vmem>>)
      %add3A_183 = arith.constant 1 : i32
      %add3A_184 = arith.addi %mul3A_160, %add3A_183 : i32
      %dma_start3A_185 = arith.constant 0 : i32
      %dma_start3A_186 = tpu.memref_slice %arg8[%add3A_184, %dma_start3A_185] : memref<158x128xi32, #tpu.memory_space<vmem>> -> memref<1x128xi32, #tpu.memory_space<vmem>>
      %dma_start3A_187 = tpu.memref_squeeze %dma_start3A_186 : memref<1x128xi32, #tpu.memory_space<vmem>> -> memref<128xi32, #tpu.memory_space<vmem>>
      %dma_start3A_188 = arith.constant 0 : i32
      %dma_start3A_189 = arith.constant 0 : i32
      %dma_start3A_190 = tpu.memref_slice %arg13[%dma_start3A_188, %dma_start3A_189] : memref<10240x32xf32, #tpu.memory_space<vmem_shared>> -> memref<10240x32xf32, #tpu.memory_space<vmem_shared>>
      tpu.enqueue_indirect_dma source(%arg10 : memref<128x32xf32, #tpu.memory_space<vmem>>) target(%dma_start3A_190 : memref<10240x32xf32, #tpu.memory_space<vmem_shared>>) offsets(%dma_start3A_187 : memref<128xi32, #tpu.memory_space<vmem>>) semaphore(%arg18 : memref<!tpu.dma_semaphore, #tpu.memory_space<semaphore_mem>>) {add = true}
      %get3A = arith.index_cast %mul3A_160 : i32 to index
      %get3A_191 = arith.constant 0 : index
      %get3A_192 = tpu.vector_load %arg8[%get3A, %get3A_191] {strides = array<i32>} : memref<158x128xi32, #tpu.memory_space<vmem>>, vector<16xi32>,
      tpu.vector_store_idx %arg11[%get3A_192], %broadcast_in_dim3A_8 {add = true} : memref<10240xf32, #tpu.memory_space<vmem>>[vector<16xi32>], vector<16xf32>,
      %get3A_193 = arith.index_cast %mul3A_160 : i32 to index
      %get3A_194 = arith.constant 16 : index
      %get3A_195 = tpu.vector_load %arg8[%get3A_193, %get3A_194] {strides = array<i32>} : memref<158x128xi32, #tpu.memory_space<vmem>>, vector<16xi32>,
      tpu.vector_store_idx %arg11[%get3A_195], %broadcast_in_dim3A_8 {add = true} : memref<10240xf32, #tpu.memory_space<vmem>>[vector<16xi32>], vector<16xf32>,
      %get3A_196 = arith.index_cast %mul3A_160 : i32 to index
      %get3A_197 = arith.constant 32 : index
      %get3A_198 = tpu.vector_load %arg8[%get3A_196, %get3A_197] {strides = array<i32>} : memref<158x128xi32, #tpu.memory_space<vmem>>, vector<16xi32>,
      tpu.vector_store_idx %arg11[%get3A_198], %broadcast_in_dim3A_8 {add = true} : memref<10240xf32, #tpu.memory_space<vmem>>[vector<16xi32>], vector<16xf32>,
      %get3A_199 = arith.index_cast %mul3A_160 : i32 to index
      %get3A_200 = arith.constant 48 : index
      %get3A_201 = tpu.vector_load %arg8[%get3A_199, %get3A_200] {strides = array<i32>} : memref<158x128xi32, #tpu.memory_space<vmem>>, vector<16xi32>,
      tpu.vector_store_idx %arg11[%get3A_201], %broadcast_in_dim3A_8 {add = true} : memref<10240xf32, #tpu.memory_space<vmem>>[vector<16xi32>], vector<16xf32>,
      %get3A_202 = arith.index_cast %mul3A_160 : i32 to index
      %get3A_203 = arith.constant 64 : index
      %get3A_204 = tpu.vector_load %arg8[%get3A_202, %get3A_203] {strides = array<i32>} : memref<158x128xi32, #tpu.memory_space<vmem>>, vector<16xi32>,
      tpu.vector_store_idx %arg11[%get3A_204], %broadcast_in_dim3A_8 {add = true} : memref<10240xf32, #tpu.memory_space<vmem>>[vector<16xi32>], vector<16xf32>,
      %get3A_205 = arith.index_cast %mul3A_160 : i32 to index
      %get3A_206 = arith.constant 80 : index
      %get3A_207 = tpu.vector_load %arg8[%get3A_205, %get3A_206] {strides = array<i32>} : memref<158x128xi32, #tpu.memory_space<vmem>>, vector<16xi32>,
      tpu.vector_store_idx %arg11[%get3A_207], %broadcast_in_dim3A_8 {add = true} : memref<10240xf32, #tpu.memory_space<vmem>>[vector<16xi32>], vector<16xf32>,
      %get3A_208 = arith.index_cast %mul3A_160 : i32 to index
      %get3A_209 = arith.constant 96 : index
      %get3A_210 = tpu.vector_load %arg8[%get3A_208, %get3A_209] {strides = array<i32>} : memref<158x128xi32, #tpu.memory_space<vmem>>, vector<16xi32>,
      tpu.vector_store_idx %arg11[%get3A_210], %broadcast_in_dim3A_8 {add = true} : memref<10240xf32, #tpu.memory_space<vmem>>[vector<16xi32>], vector<16xf32>,
      %get3A_211 = arith.index_cast %mul3A_160 : i32 to index
      %get3A_212 = arith.constant 112 : index
      %get3A_213 = tpu.vector_load %arg8[%get3A_211, %get3A_212] {strides = array<i32>} : memref<158x128xi32, #tpu.memory_space<vmem>>, vector<16xi32>,
      tpu.vector_store_idx %arg11[%get3A_213], %broadcast_in_dim3A_8 {add = true} : memref<10240xf32, #tpu.memory_space<vmem>>[vector<16xi32>], vector<16xf32>,
      %dma_wait3A_214 = arith.constant 0 : i32
      %dma_wait3A_215 = arith.constant 0 : i32
      %dma_wait3A_216 = tpu.memref_slice %arg8[%dma_wait3A_214, %dma_wait3A_215] : memref<158x128xi32, #tpu.memory_space<vmem>> -> memref<1x128xi32, #tpu.memory_space<vmem>>
      %dma_wait3A_217 = tpu.memref_squeeze %dma_wait3A_216 : memref<1x128xi32, #tpu.memory_space<vmem>> -> memref<128xi32, #tpu.memory_space<vmem>>
      %dma_wait3A_218 = arith.constant 0 : i32
      %dma_wait3A_219 = arith.constant 0 : i32
      %dma_wait3A_220 = tpu.memref_slice %arg13[%dma_wait3A_218, %dma_wait3A_219] : memref<10240x32xf32, #tpu.memory_space<vmem_shared>> -> memref<10240x32xf32, #tpu.memory_space<vmem_shared>>
      tpu.wait_indirect_dma semaphore(%arg18 : memref<!tpu.dma_semaphore, #tpu.memory_space<semaphore_mem>>) src(%arg9 : memref<128x32xf32, #tpu.memory_space<vmem>>) dst(%dma_wait3A_220 : memref<10240x32xf32, #tpu.memory_space<vmem_shared>>)
      %add3A_221 = arith.constant 2 : i32
      %add3A_222 = arith.addi %mul3A_160, %add3A_221 : i32
      %dma_start3A_223 = arith.constant 0 : i32
      %dma_start3A_224 = tpu.memref_slice %arg7[%add3A_222, %dma_start3A_223] : memref<160x128xi32, #tpu.memory_space<vmem>> -> memref<1x128xi32, #tpu.memory_space<vmem>>
      %dma_start3A_225 = tpu.memref_squeeze %dma_start3A_224 : memref<1x128xi32, #tpu.memory_space<vmem>> -> memref<128xi32, #tpu.memory_space<vmem>>
      %dma_start3A_226 = arith.constant 0 : i32
      %dma_start3A_227 = arith.constant 0 : i32
      %dma_start3A_228 = tpu.memref_slice %arg14[%dma_start3A_226, %dma_start3A_227] : memref<10240x32xf32, #tpu.memory_space<vmem_shared>> -> memref<10240x32xf32, #tpu.memory_space<vmem_shared>>
      tpu.enqueue_indirect_dma source(%dma_start3A_228 : memref<10240x32xf32, #tpu.memory_space<vmem_shared>>) target(%arg9 : memref<128x32xf32, #tpu.memory_space<vmem>>) offsets(%dma_start3A_225 : memref<128xi32, #tpu.memory_space<vmem>>) semaphore(%arg16 : memref<!tpu.dma_semaphore, #tpu.memory_space<semaphore_mem>>)
      %add3A_229 = arith.constant 1 : i32
      %add3A_230 = arith.addi %mul3A_160, %add3A_229 : i32
      %get3A_231 = arith.index_cast %add3A_230 : i32 to index
      %get3A_232 = arith.constant 0 : index
      %get3A_233 = tpu.vector_load %arg8[%get3A_231, %get3A_232] {strides = array<i32>} : memref<158x128xi32, #tpu.memory_space<vmem>>, vector<16xi32>,
      tpu.vector_store_idx %arg11[%get3A_233], %broadcast_in_dim3A_8 {add = true} : memref<10240xf32, #tpu.memory_space<vmem>>[vector<16xi32>], vector<16xf32>,
      %get3A_234 = arith.index_cast %add3A_230 : i32 to index
      %get3A_235 = arith.constant 16 : index
      %get3A_236 = tpu.vector_load %arg8[%get3A_234, %get3A_235] {strides = array<i32>} : memref<158x128xi32, #tpu.memory_space<vmem>>, vector<16xi32>,
      tpu.vector_store_idx %arg11[%get3A_236], %broadcast_in_dim3A_8 {add = true} : memref<10240xf32, #tpu.memory_space<vmem>>[vector<16xi32>], vector<16xf32>,
      %get3A_237 = arith.index_cast %add3A_230 : i32 to index
      %get3A_238 = arith.constant 32 : index
      %get3A_239 = tpu.vector_load %arg8[%get3A_237, %get3A_238] {strides = array<i32>} : memref<158x128xi32, #tpu.memory_space<vmem>>, vector<16xi32>,
      tpu.vector_store_idx %arg11[%get3A_239], %broadcast_in_dim3A_8 {add = true} : memref<10240xf32, #tpu.memory_space<vmem>>[vector<16xi32>], vector<16xf32>,
      %get3A_240 = arith.index_cast %add3A_230 : i32 to index
      %get3A_241 = arith.constant 48 : index
      %get3A_242 = tpu.vector_load %arg8[%get3A_240, %get3A_241] {strides = array<i32>} : memref<158x128xi32, #tpu.memory_space<vmem>>, vector<16xi32>,
      tpu.vector_store_idx %arg11[%get3A_242], %broadcast_in_dim3A_8 {add = true} : memref<10240xf32, #tpu.memory_space<vmem>>[vector<16xi32>], vector<16xf32>,
      %get3A_243 = arith.index_cast %add3A_230 : i32 to index
      %get3A_244 = arith.constant 64 : index
      %get3A_245 = tpu.vector_load %arg8[%get3A_243, %get3A_244] {strides = array<i32>} : memref<158x128xi32, #tpu.memory_space<vmem>>, vector<16xi32>,
      tpu.vector_store_idx %arg11[%get3A_245], %broadcast_in_dim3A_8 {add = true} : memref<10240xf32, #tpu.memory_space<vmem>>[vector<16xi32>], vector<16xf32>,
      %get3A_246 = arith.index_cast %add3A_230 : i32 to index
      %get3A_247 = arith.constant 80 : index
      %get3A_248 = tpu.vector_load %arg8[%get3A_246, %get3A_247] {strides = array<i32>} : memref<158x128xi32, #tpu.memory_space<vmem>>, vector<16xi32>,
      tpu.vector_store_idx %arg11[%get3A_248], %broadcast_in_dim3A_8 {add = true} : memref<10240xf32, #tpu.memory_space<vmem>>[vector<16xi32>], vector<16xf32>,
      %get3A_249 = arith.index_cast %add3A_230 : i32 to index
      %get3A_250 = arith.constant 96 : index
      %get3A_251 = tpu.vector_load %arg8[%get3A_249, %get3A_250] {strides = array<i32>} : memref<158x128xi32, #tpu.memory_space<vmem>>, vector<16xi32>,
      tpu.vector_store_idx %arg11[%get3A_251], %broadcast_in_dim3A_8 {add = true} : memref<10240xf32, #tpu.memory_space<vmem>>[vector<16xi32>], vector<16xf32>,
      %get3A_252 = arith.index_cast %add3A_230 : i32 to index
      %get3A_253 = arith.constant 112 : index
      %get3A_254 = tpu.vector_load %arg8[%get3A_252, %get3A_253] {strides = array<i32>} : memref<158x128xi32, #tpu.memory_space<vmem>>, vector<16xi32>,
      tpu.vector_store_idx %arg11[%get3A_254], %broadcast_in_dim3A_8 {add = true} : memref<10240xf32, #tpu.memory_space<vmem>>[vector<16xi32>], vector<16xf32>,
      %dma_wait3A_255 = arith.constant 0 : i32
      %dma_wait3A_256 = arith.constant 0 : i32
      %dma_wait3A_257 = tpu.memref_slice %arg8[%dma_wait3A_255, %dma_wait3A_256] : memref<158x128xi32, #tpu.memory_space<vmem>> -> memref<1x128xi32, #tpu.memory_space<vmem>>
      %dma_wait3A_258 = tpu.memref_squeeze %dma_wait3A_257 : memref<1x128xi32, #tpu.memory_space<vmem>> -> memref<128xi32, #tpu.memory_space<vmem>>
      %dma_wait3A_259 = arith.constant 0 : i32
      %dma_wait3A_260 = arith.constant 0 : i32
      %dma_wait3A_261 = tpu.memref_slice %arg13[%dma_wait3A_259, %dma_wait3A_260] : memref<10240x32xf32, #tpu.memory_space<vmem_shared>> -> memref<10240x32xf32, #tpu.memory_space<vmem_shared>>
      tpu.wait_indirect_dma semaphore(%arg18 : memref<!tpu.dma_semaphore, #tpu.memory_space<semaphore_mem>>) src(%arg10 : memref<128x32xf32, #tpu.memory_space<vmem>>) dst(%dma_wait3A_261 : memref<10240x32xf32, #tpu.memory_space<vmem_shared>>)
      %add3A_262 = arith.constant 2 : i32
      %add3A_263 = arith.addi %mul3A_160, %add3A_262 : i32
      %add3A_264 = arith.constant 1 : i32
      %add3A_265 = arith.addi %add3A_263, %add3A_264 : i32
      %dma_start3A_266 = arith.constant 0 : i32
      %dma_start3A_267 = tpu.memref_slice %arg7[%add3A_265, %dma_start3A_266] : memref<160x128xi32, #tpu.memory_space<vmem>> -> memref<1x128xi32, #tpu.memory_space<vmem>>
      %dma_start3A_268 = tpu.memref_squeeze %dma_start3A_267 : memref<1x128xi32, #tpu.memory_space<vmem>> -> memref<128xi32, #tpu.memory_space<vmem>>
      %dma_start3A_269 = arith.constant 0 : i32
      %dma_start3A_270 = arith.constant 0 : i32
      %dma_start3A_271 = tpu.memref_slice %arg14[%dma_start3A_269, %dma_start3A_270] : memref<10240x32xf32, #tpu.memory_space<vmem_shared>> -> memref<10240x32xf32, #tpu.memory_space<vmem_shared>>
      tpu.enqueue_indirect_dma source(%dma_start3A_271 : memref<10240x32xf32, #tpu.memory_space<vmem_shared>>) target(%arg10 : memref<128x32xf32, #tpu.memory_space<vmem>>) offsets(%dma_start3A_268 : memref<128xi32, #tpu.memory_space<vmem>>) semaphore(%arg17 : memref<!tpu.dma_semaphore, #tpu.memory_space<semaphore_mem>>)
    }
    %scan3A_62 = arith.constant 79 : i32
    %dma_wait3A = arith.constant 0 : i32
    %dma_wait3A_63 = arith.constant 0 : i32
    %dma_wait3A_64 = tpu.memref_slice %arg7[%dma_wait3A, %dma_wait3A_63] : memref<160x128xi32, #tpu.memory_space<vmem>> -> memref<1x128xi32, #tpu.memory_space<vmem>>
    %dma_wait3A_65 = tpu.memref_squeeze %dma_wait3A_64 : memref<1x128xi32, #tpu.memory_space<vmem>> -> memref<128xi32, #tpu.memory_space<vmem>>
    %dma_wait3A_66 = arith.constant 0 : i32
    %dma_wait3A_67 = arith.constant 0 : i32
    %dma_wait3A_68 = tpu.memref_slice %arg14[%dma_wait3A_66, %dma_wait3A_67] : memref<10240x32xf32, #tpu.memory_space<vmem_shared>> -> memref<10240x32xf32, #tpu.memory_space<vmem_shared>>
    tpu.wait_indirect_dma semaphore(%arg16 : memref<!tpu.dma_semaphore, #tpu.memory_space<semaphore_mem>>) src(%dma_wait3A_68 : memref<10240x32xf32, #tpu.memory_space<vmem_shared>>) dst(%arg9 : memref<128x32xf32, #tpu.memory_space<vmem>>)
    %dma_wait3A_69 = arith.constant 0 : i32
    %dma_wait3A_70 = arith.constant 0 : i32
    %dma_wait3A_71 = tpu.memref_slice %arg7[%dma_wait3A_69, %dma_wait3A_70] : memref<160x128xi32, #tpu.memory_space<vmem>> -> memref<1x128xi32, #tpu.memory_space<vmem>>
    %dma_wait3A_72 = tpu.memref_squeeze %dma_wait3A_71 : memref<1x128xi32, #tpu.memory_space<vmem>> -> memref<128xi32, #tpu.memory_space<vmem>>
    %dma_wait3A_73 = arith.constant 0 : i32
    %dma_wait3A_74 = arith.constant 0 : i32
    %dma_wait3A_75 = tpu.memref_slice %arg14[%dma_wait3A_73, %dma_wait3A_74] : memref<10240x32xf32, #tpu.memory_space<vmem_shared>> -> memref<10240x32xf32, #tpu.memory_space<vmem_shared>>
    tpu.wait_indirect_dma semaphore(%arg17 : memref<!tpu.dma_semaphore, #tpu.memory_space<semaphore_mem>>) src(%dma_wait3A_75 : memref<10240x32xf32, #tpu.memory_space<vmem_shared>>) dst(%arg10 : memref<128x32xf32, #tpu.memory_space<vmem>>)
    %barrier3A_76 = arith.constant 0 : index
    tpu.barrier barrier_id(%barrier3A_76)
    "tpu.region"() ({
      %run_scoped3A = tpu.sem_alloc : memref<!tpu.dma_semaphore, #tpu.memory_space<semaphore_mem>>
      %dma_start3A_158 = arith.constant 0 : i32
      %dma_start3A_159 = tpu.memref_slice %arg5[%add3A_11, %mul3A_0, %dma_start3A_158] : memref<4x10240x32xf32, #tpu.memory_space<hbm>> -> memref<1x640x32xf32, #tpu.memory_space<hbm>>
      %dma_start3A_160 = tpu.memref_squeeze %dma_start3A_159 : memref<1x640x32xf32, #tpu.memory_space<hbm>> -> memref<640x32xf32, #tpu.memory_space<hbm>>
      %dma_start3A_161 = arith.constant 0 : i32
      %dma_start3A_162 = tpu.memref_slice %arg13[%mul3A_0, %dma_start3A_161] : memref<10240x32xf32, #tpu.memory_space<vmem_shared>> -> memref<640x32xf32, #tpu.memory_space<vmem_shared>>
      tpu.enqueue_dma source(%dma_start3A_162 : memref<640x32xf32, #tpu.memory_space<vmem_shared>>) target(%dma_start3A_160 : memref<640x32xf32, #tpu.memory_space<hbm>>) target_semaphore(%run_scoped3A : memref<!tpu.dma_semaphore, #tpu.memory_space<semaphore_mem>>)
      %dma_wait3A_163 = arith.constant 0 : i32
      %dma_wait3A_164 = tpu.memref_slice %arg5[%add3A_11, %mul3A_0, %dma_wait3A_163] : memref<4x10240x32xf32, #tpu.memory_space<hbm>> -> memref<1x640x32xf32, #tpu.memory_space<hbm>>
      %dma_wait3A_165 = tpu.memref_squeeze %dma_wait3A_164 : memref<1x640x32xf32, #tpu.memory_space<hbm>> -> memref<640x32xf32, #tpu.memory_space<hbm>>
      %dma_wait3A_166 = arith.constant 0 : i32
      %dma_wait3A_167 = tpu.memref_slice %arg13[%mul3A_0, %dma_wait3A_166] : memref<10240x32xf32, #tpu.memory_space<vmem_shared>> -> memref<640x32xf32, #tpu.memory_space<vmem_shared>>
      tpu.wait_dma2 semaphore(%run_scoped3A : memref<!tpu.dma_semaphore, #tpu.memory_space<semaphore_mem>>) src(%dma_wait3A_167 : memref<640x32xf32, #tpu.memory_space<vmem_shared>>) dst(%dma_wait3A_165 : memref<640x32xf32, #tpu.memory_space<hbm>>)
      tpu.yield
    }) : () -> ()
    "tpu.region"() ({
      %run_scoped3A = tpu.sem_alloc : memref<!tpu.dma_semaphore, #tpu.memory_space<semaphore_mem>>
      %dma_start3A_158 = arith.constant 0 : i32
      %dma_start3A_159 = tpu.memref_slice %arg15[%arg1, %dma_start3A_158] : memref<16x10240xf32, #tpu.memory_space<vmem_shared>> -> memref<1x10240xf32, #tpu.memory_space<vmem_shared>>
      %dma_start3A_160 = tpu.memref_squeeze %dma_start3A_159 : memref<1x10240xf32, #tpu.memory_space<vmem_shared>> -> memref<10240xf32, #tpu.memory_space<vmem_shared>>
      %dma_start3A_161 = arith.constant 0 : i32
      %dma_start3A_162 = tpu.memref_slice %arg15[%arg1, %dma_start3A_161] : memref<16x10240xf32, #tpu.memory_space<vmem_shared>> -> memref<1x10240xf32, #tpu.memory_space<vmem_shared>>
      %dma_start3A_163 = tpu.memref_squeeze %dma_start3A_162 : memref<1x10240xf32, #tpu.memory_space<vmem_shared>> -> memref<10240xf32, #tpu.memory_space<vmem_shared>>
      tpu.enqueue_dma source(%arg11 : memref<10240xf32, #tpu.memory_space<vmem>>) target(%dma_start3A_163 : memref<10240xf32, #tpu.memory_space<vmem_shared>>) target_semaphore(%run_scoped3A : memref<!tpu.dma_semaphore, #tpu.memory_space<semaphore_mem>>)
      %dma_wait3A_164 = arith.constant 0 : i32
      %dma_wait3A_165 = tpu.memref_slice %arg15[%arg1, %dma_wait3A_164] : memref<16x10240xf32, #tpu.memory_space<vmem_shared>> -> memref<1x10240xf32, #tpu.memory_space<vmem_shared>>
      %dma_wait3A_166 = tpu.memref_squeeze %dma_wait3A_165 : memref<1x10240xf32, #tpu.memory_space<vmem_shared>> -> memref<10240xf32, #tpu.memory_space<vmem_shared>>
      %dma_wait3A_167 = arith.constant 0 : i32
      %dma_wait3A_168 = tpu.memref_slice %arg15[%arg1, %dma_wait3A_167] : memref<16x10240xf32, #tpu.memory_space<vmem_shared>> -> memref<1x10240xf32, #tpu.memory_space<vmem_shared>>
      %dma_wait3A_169 = tpu.memref_squeeze %dma_wait3A_168 : memref<1x10240xf32, #tpu.memory_space<vmem_shared>> -> memref<10240xf32, #tpu.memory_space<vmem_shared>>
      tpu.wait_dma2 semaphore(%run_scoped3A : memref<!tpu.dma_semaphore, #tpu.memory_space<semaphore_mem>>) src(%arg11 : memref<10240xf32, #tpu.memory_space<vmem>>) dst(%dma_wait3A_169 : memref<10240xf32, #tpu.memory_space<vmem_shared>>)
      tpu.yield
    }) : () -> ()
    %barrier3A_77 = arith.constant 0 : index
    tpu.barrier barrier_id(%barrier3A_77)
    %add3A_78 = arith.constant 2 : i32
    %add3A_79 = arith.addi %add3A_78, %arg0 : i32
    %lt3A_80 = arith.constant 15 : i32
    %lt3A_81 = arith.cmpi slt, %arg1, %lt3A_80 : i32
    %convert_element_type3A_82 = arith.extui %lt3A_81 : i1 to i32
    %cond3A_83 = arith.constant 0 : i32
    %cond3A_84 = arith.cmpi ne, %convert_element_type3A_82, %cond3A_83 : i32
    scf.if %cond3A_84 {
      %mul3A_158 = arith.constant 32 : i32
      %mul3A_159 = arith.muli %add3A_79, %mul3A_158 : i32
      %dma_start3A_160 = arith.constant 0 : i32
      %dma_start3A_161 = tpu.memref_slice %arg14[%mul3A_10, %dma_start3A_160] : memref<10240x32xf32, #tpu.memory_space<vmem_shared>> -> memref<632x32xf32, #tpu.memory_space<vmem_shared>>
      %dma_start3A_162 = tpu.memref_slice %arg2[%mul3A_10, %mul3A_159] : memref<10000x128xf32, #tpu.memory_space<hbm>> -> memref<632x32xf32, #tpu.memory_space<hbm>>
      tpu.enqueue_dma source(%dma_start3A_162 : memref<632x32xf32, #tpu.memory_space<hbm>>) target(%dma_start3A_161 : memref<632x32xf32, #tpu.memory_space<vmem_shared>>) target_semaphore(%arg19 : memref<!tpu.dma_semaphore, #tpu.memory_space<semaphore_mem>>)
    } else {
    }
    %eq3A_85 = arith.constant 15 : i32
    %eq3A_86 = arith.cmpi eq, %arg1, %eq3A_85 : i32
    %convert_element_type3A_87 = arith.extui %eq3A_86 : i1 to i32
    %cond3A_88 = arith.constant 0 : i32
    %cond3A_89 = arith.cmpi ne, %convert_element_type3A_87, %cond3A_88 : i32
    scf.if %cond3A_89 {
      %mul3A_158 = arith.constant 32 : i32
      %mul3A_159 = arith.muli %add3A_79, %mul3A_158 : i32
      %dma_start3A_160 = arith.constant 0 : i32
      %dma_start3A_161 = tpu.memref_slice %arg14[%mul3A_10, %dma_start3A_160] : memref<10240x32xf32, #tpu.memory_space<vmem_shared>> -> memref<520x32xf32, #tpu.memory_space<vmem_shared>>
      %dma_start3A_162 = tpu.memref_slice %arg2[%mul3A_10, %mul3A_159] : memref<10000x128xf32, #tpu.memory_space<hbm>> -> memref<520x32xf32, #tpu.memory_space<hbm>>
      tpu.enqueue_dma source(%dma_start3A_162 : memref<520x32xf32, #tpu.memory_space<hbm>>) target(%dma_start3A_161 : memref<520x32xf32, #tpu.memory_space<vmem_shared>>) target_semaphore(%arg19 : memref<!tpu.dma_semaphore, #tpu.memory_space<semaphore_mem>>)
    } else {
    }
    %scan3A_90 = arith.constant 0 : i32
    %scan3A_91 = arith.constant 0 : i32
    %scan3A_92 = arith.constant 128 : i32
    %scan3A_93 = arith.addi %scan3A_91, %scan3A_92 : i32
    %scan3A_94 = arith.constant 1 : i32
    scf.for %scan3A_158 = %scan3A_91 to %scan3A_93 step %scan3A_94  : i32 {
      %swap3A = arith.index_cast %scan3A_158 : i32 to index
      %swap3A_159 = arith.constant 0 : index
      %swap3A_160 = tpu.vector_load %arg9[%swap3A, %swap3A_159] {strides = array<i32>} : memref<128x32xf32, #tpu.memory_space<vmem>>, vector<16xf32>,
      tpu.vector_store %arg9[%swap3A, %swap3A_159], %broadcast_in_dim3A_1 {strides = array<i32>} : memref<128x32xf32, #tpu.memory_space<vmem>>, vector<16xf32>,
      %swap3A_161 = arith.index_cast %scan3A_158 : i32 to index
      %swap3A_162 = arith.constant 16 : index
      %swap3A_163 = tpu.vector_load %arg9[%swap3A_161, %swap3A_162] {strides = array<i32>} : memref<128x32xf32, #tpu.memory_space<vmem>>, vector<16xf32>,
      tpu.vector_store %arg9[%swap3A_161, %swap3A_162], %broadcast_in_dim3A_1 {strides = array<i32>} : memref<128x32xf32, #tpu.memory_space<vmem>>, vector<16xf32>,
    }
    %scan3A_95 = arith.constant 128 : i32
    %add3A_96 = arith.constant 0 : i32
    %add3A_97 = arith.addi %mul3A_0, %add3A_96 : i32
    "tpu.region"() ({
      %run_scoped3A = tpu.sem_alloc : memref<!tpu.dma_semaphore, #tpu.memory_space<semaphore_mem>>
      %dma_start3A_158 = arith.constant 0 : i32
      %dma_start3A_159 = arith.constant 0 : i32
      %dma_start3A_160 = tpu.memref_slice %arg9[%dma_start3A_158, %dma_start3A_159] : memref<128x32xf32, #tpu.memory_space<vmem>> -> memref<128x32xf32, #tpu.memory_space<vmem>>
      %dma_start3A_161 = arith.constant 0 : i32
      %dma_start3A_162 = tpu.memref_slice %arg13[%add3A_97, %dma_start3A_161] : memref<10240x32xf32, #tpu.memory_space<vmem_shared>> -> memref<128x32xf32, #tpu.memory_space<vmem_shared>>
      %dma_start3A_163 = arith.constant 0 : i32
      %dma_start3A_164 = tpu.memref_slice %arg13[%add3A_97, %dma_start3A_163] : memref<10240x32xf32, #tpu.memory_space<vmem_shared>> -> memref<128x32xf32, #tpu.memory_space<vmem_shared>>
      %dma_start3A_165 = arith.constant 0 : i32
      %dma_start3A_166 = arith.constant 0 : i32
      %dma_start3A_167 = tpu.memref_slice %arg9[%dma_start3A_165, %dma_start3A_166] : memref<128x32xf32, #tpu.memory_space<vmem>> -> memref<128x32xf32, #tpu.memory_space<vmem>>
      tpu.enqueue_dma source(%dma_start3A_167 : memref<128x32xf32, #tpu.memory_space<vmem>>) target(%dma_start3A_164 : memref<128x32xf32, #tpu.memory_space<vmem_shared>>) target_semaphore(%run_scoped3A : memref<!tpu.dma_semaphore, #tpu.memory_space<semaphore_mem>>)
      %dma_wait3A_168 = arith.constant 0 : i32
      %dma_wait3A_169 = arith.constant 0 : i32
      %dma_wait3A_170 = tpu.memref_slice %arg9[%dma_wait3A_168, %dma_wait3A_169] : memref<128x32xf32, #tpu.memory_space<vmem>> -> memref<128x32xf32, #tpu.memory_space<vmem>>
      %dma_wait3A_171 = arith.constant 0 : i32
      %dma_wait3A_172 = tpu.memref_slice %arg13[%add3A_97, %dma_wait3A_171] : memref<10240x32xf32, #tpu.memory_space<vmem_shared>> -> memref<128x32xf32, #tpu.memory_space<vmem_shared>>
      %dma_wait3A_173 = arith.constant 0 : i32
      %dma_wait3A_174 = tpu.memref_slice %arg13[%add3A_97, %dma_wait3A_173] : memref<10240x32xf32, #tpu.memory_space<vmem_shared>> -> memref<128x32xf32, #tpu.memory_space<vmem_shared>>
      %dma_wait3A_175 = arith.constant 0 : i32
      %dma_wait3A_176 = arith.constant 0 : i32
      %dma_wait3A_177 = tpu.memref_slice %arg9[%dma_wait3A_175, %dma_wait3A_176] : memref<128x32xf32, #tpu.memory_space<vmem>> -> memref<128x32xf32, #tpu.memory_space<vmem>>
      tpu.wait_dma2 semaphore(%run_scoped3A : memref<!tpu.dma_semaphore, #tpu.memory_space<semaphore_mem>>) src(%dma_wait3A_177 : memref<128x32xf32, #tpu.memory_space<vmem>>) dst(%dma_wait3A_174 : memref<128x32xf32, #tpu.memory_space<vmem_shared>>)
      tpu.yield
    }) : () -> ()
    %add3A_98 = arith.constant 128 : i32
    %add3A_99 = arith.addi %mul3A_0, %add3A_98 : i32
    "tpu.region"() ({
      %run_scoped3A = tpu.sem_alloc : memref<!tpu.dma_semaphore, #tpu.memory_space<semaphore_mem>>
      %dma_start3A_158 = arith.constant 0 : i32
      %dma_start3A_159 = arith.constant 0 : i32
      %dma_start3A_160 = tpu.memref_slice %arg9[%dma_start3A_158, %dma_start3A_159] : memref<128x32xf32, #tpu.memory_space<vmem>> -> memref<128x32xf32, #tpu.memory_space<vmem>>
      %dma_start3A_161 = arith.constant 0 : i32
      %dma_start3A_162 = tpu.memref_slice %arg13[%add3A_99, %dma_start3A_161] : memref<10240x32xf32, #tpu.memory_space<vmem_shared>> -> memref<128x32xf32, #tpu.memory_space<vmem_shared>>
      %dma_start3A_163 = arith.constant 0 : i32
      %dma_start3A_164 = tpu.memref_slice %arg13[%add3A_99, %dma_start3A_163] : memref<10240x32xf32, #tpu.memory_space<vmem_shared>> -> memref<128x32xf32, #tpu.memory_space<vmem_shared>>
      %dma_start3A_165 = arith.constant 0 : i32
      %dma_start3A_166 = arith.constant 0 : i32
      %dma_start3A_167 = tpu.memref_slice %arg9[%dma_start3A_165, %dma_start3A_166] : memref<128x32xf32, #tpu.memory_space<vmem>> -> memref<128x32xf32, #tpu.memory_space<vmem>>
      tpu.enqueue_dma source(%dma_start3A_167 : memref<128x32xf32, #tpu.memory_space<vmem>>) target(%dma_start3A_164 : memref<128x32xf32, #tpu.memory_space<vmem_shared>>) target_semaphore(%run_scoped3A : memref<!tpu.dma_semaphore, #tpu.memory_space<semaphore_mem>>)
      %dma_wait3A_168 = arith.constant 0 : i32
      %dma_wait3A_169 = arith.constant 0 : i32
      %dma_wait3A_170 = tpu.memref_slice %arg9[%dma_wait3A_168, %dma_wait3A_169] : memref<128x32xf32, #tpu.memory_space<vmem>> -> memref<128x32xf32, #tpu.memory_space<vmem>>
      %dma_wait3A_171 = arith.constant 0 : i32
      %dma_wait3A_172 = tpu.memref_slice %arg13[%add3A_99, %dma_wait3A_171] : memref<10240x32xf32, #tpu.memory_space<vmem_shared>> -> memref<128x32xf32, #tpu.memory_space<vmem_shared>>
      %dma_wait3A_173 = arith.constant 0 : i32
      %dma_wait3A_174 = tpu.memref_slice %arg13[%add3A_99, %dma_wait3A_173] : memref<10240x32xf32, #tpu.memory_space<vmem_shared>> -> memref<128x32xf32, #tpu.memory_space<vmem_shared>>
      %dma_wait3A_175 = arith.constant 0 : i32
      %dma_wait3A_176 = arith.constant 0 : i32
      %dma_wait3A_177 = tpu.memref_slice %arg9[%dma_wait3A_175, %dma_wait3A_176] : memref<128x32xf32, #tpu.memory_space<vmem>> -> memref<128x32xf32, #tpu.memory_space<vmem>>
      tpu.wait_dma2 semaphore(%run_scoped3A : memref<!tpu.dma_semaphore, #tpu.memory_space<semaphore_mem>>) src(%dma_wait3A_177 : memref<128x32xf32, #tpu.memory_space<vmem>>) dst(%dma_wait3A_174 : memref<128x32xf32, #tpu.memory_space<vmem_shared>>)
      tpu.yield
    }) : () -> ()
    %add3A_100 = arith.constant 256 : i32
    %add3A_101 = arith.addi %mul3A_0, %add3A_100 : i32
    "tpu.region"() ({
      %run_scoped3A = tpu.sem_alloc : memref<!tpu.dma_semaphore, #tpu.memory_space<semaphore_mem>>
      %dma_start3A_158 = arith.constant 0 : i32
      %dma_start3A_159 = arith.constant 0 : i32
      %dma_start3A_160 = tpu.memref_slice %arg9[%dma_start3A_158, %dma_start3A_159] : memref<128x32xf32, #tpu.memory_space<vmem>> -> memref<128x32xf32, #tpu.memory_space<vmem>>
      %dma_start3A_161 = arith.constant 0 : i32
      %dma_start3A_162 = tpu.memref_slice %arg13[%add3A_101, %dma_start3A_161] : memref<10240x32xf32, #tpu.memory_space<vmem_shared>> -> memref<128x32xf32, #tpu.memory_space<vmem_shared>>
      %dma_start3A_163 = arith.constant 0 : i32
      %dma_start3A_164 = tpu.memref_slice %arg13[%add3A_101, %dma_start3A_163] : memref<10240x32xf32, #tpu.memory_space<vmem_shared>> -> memref<128x32xf32, #tpu.memory_space<vmem_shared>>
      %dma_start3A_165 = arith.constant 0 : i32
      %dma_start3A_166 = arith.constant 0 : i32
      %dma_start3A_167 = tpu.memref_slice %arg9[%dma_start3A_165, %dma_start3A_166] : memref<128x32xf32, #tpu.memory_space<vmem>> -> memref<128x32xf32, #tpu.memory_space<vmem>>
      tpu.enqueue_dma source(%dma_start3A_167 : memref<128x32xf32, #tpu.memory_space<vmem>>) target(%dma_start3A_164 : memref<128x32xf32, #tpu.memory_space<vmem_shared>>) target_semaphore(%run_scoped3A : memref<!tpu.dma_semaphore, #tpu.memory_space<semaphore_mem>>)
      %dma_wait3A_168 = arith.constant 0 : i32
      %dma_wait3A_169 = arith.constant 0 : i32
      %dma_wait3A_170 = tpu.memref_slice %arg9[%dma_wait3A_168, %dma_wait3A_169] : memref<128x32xf32, #tpu.memory_space<vmem>> -> memref<128x32xf32, #tpu.memory_space<vmem>>
      %dma_wait3A_171 = arith.constant 0 : i32
      %dma_wait3A_172 = tpu.memref_slice %arg13[%add3A_101, %dma_wait3A_171] : memref<10240x32xf32, #tpu.memory_space<vmem_shared>> -> memref<128x32xf32, #tpu.memory_space<vmem_shared>>
      %dma_wait3A_173 = arith.constant 0 : i32
      %dma_wait3A_174 = tpu.memref_slice %arg13[%add3A_101, %dma_wait3A_173] : memref<10240x32xf32, #tpu.memory_space<vmem_shared>> -> memref<128x32xf32, #tpu.memory_space<vmem_shared>>
      %dma_wait3A_175 = arith.constant 0 : i32
      %dma_wait3A_176 = arith.constant 0 : i32
      %dma_wait3A_177 = tpu.memref_slice %arg9[%dma_wait3A_175, %dma_wait3A_176] : memref<128x32xf32, #tpu.memory_space<vmem>> -> memref<128x32xf32, #tpu.memory_space<vmem>>
      tpu.wait_dma2 semaphore(%run_scoped3A : memref<!tpu.dma_semaphore, #tpu.memory_space<semaphore_mem>>) src(%dma_wait3A_177 : memref<128x32xf32, #tpu.memory_space<vmem>>) dst(%dma_wait3A_174 : memref<128x32xf32, #tpu.memory_space<vmem_shared>>)
      tpu.yield
    }) : () -> ()
    %add3A_102 = arith.constant 384 : i32
    %add3A_103 = arith.addi %mul3A_0, %add3A_102 : i32
    "tpu.region"() ({
      %run_scoped3A = tpu.sem_alloc : memref<!tpu.dma_semaphore, #tpu.memory_space<semaphore_mem>>
      %dma_start3A_158 = arith.constant 0 : i32
      %dma_start3A_159 = arith.constant 0 : i32
      %dma_start3A_160 = tpu.memref_slice %arg9[%dma_start3A_158, %dma_start3A_159] : memref<128x32xf32, #tpu.memory_space<vmem>> -> memref<128x32xf32, #tpu.memory_space<vmem>>
      %dma_start3A_161 = arith.constant 0 : i32
      %dma_start3A_162 = tpu.memref_slice %arg13[%add3A_103, %dma_start3A_161] : memref<10240x32xf32, #tpu.memory_space<vmem_shared>> -> memref<128x32xf32, #tpu.memory_space<vmem_shared>>
      %dma_start3A_163 = arith.constant 0 : i32
      %dma_start3A_164 = tpu.memref_slice %arg13[%add3A_103, %dma_start3A_163] : memref<10240x32xf32, #tpu.memory_space<vmem_shared>> -> memref<128x32xf32, #tpu.memory_space<vmem_shared>>
      %dma_start3A_165 = arith.constant 0 : i32
      %dma_start3A_166 = arith.constant 0 : i32
      %dma_start3A_167 = tpu.memref_slice %arg9[%dma_start3A_165, %dma_start3A_166] : memref<128x32xf32, #tpu.memory_space<vmem>> -> memref<128x32xf32, #tpu.memory_space<vmem>>
      tpu.enqueue_dma source(%dma_start3A_167 : memref<128x32xf32, #tpu.memory_space<vmem>>) target(%dma_start3A_164 : memref<128x32xf32, #tpu.memory_space<vmem_shared>>) target_semaphore(%run_scoped3A : memref<!tpu.dma_semaphore, #tpu.memory_space<semaphore_mem>>)
      %dma_wait3A_168 = arith.constant 0 : i32
      %dma_wait3A_169 = arith.constant 0 : i32
      %dma_wait3A_170 = tpu.memref_slice %arg9[%dma_wait3A_168, %dma_wait3A_169] : memref<128x32xf32, #tpu.memory_space<vmem>> -> memref<128x32xf32, #tpu.memory_space<vmem>>
      %dma_wait3A_171 = arith.constant 0 : i32
      %dma_wait3A_172 = tpu.memref_slice %arg13[%add3A_103, %dma_wait3A_171] : memref<10240x32xf32, #tpu.memory_space<vmem_shared>> -> memref<128x32xf32, #tpu.memory_space<vmem_shared>>
      %dma_wait3A_173 = arith.constant 0 : i32
      %dma_wait3A_174 = tpu.memref_slice %arg13[%add3A_103, %dma_wait3A_173] : memref<10240x32xf32, #tpu.memory_space<vmem_shared>> -> memref<128x32xf32, #tpu.memory_space<vmem_shared>>
      %dma_wait3A_175 = arith.constant 0 : i32
      %dma_wait3A_176 = arith.constant 0 : i32
      %dma_wait3A_177 = tpu.memref_slice %arg9[%dma_wait3A_175, %dma_wait3A_176] : memref<128x32xf32, #tpu.memory_space<vmem>> -> memref<128x32xf32, #tpu.memory_space<vmem>>
      tpu.wait_dma2 semaphore(%run_scoped3A : memref<!tpu.dma_semaphore, #tpu.memory_space<semaphore_mem>>) src(%dma_wait3A_177 : memref<128x32xf32, #tpu.memory_space<vmem>>) dst(%dma_wait3A_174 : memref<128x32xf32, #tpu.memory_space<vmem_shared>>)
      tpu.yield
    }) : () -> ()
    %add3A_104 = arith.constant 512 : i32
    %add3A_105 = arith.addi %mul3A_0, %add3A_104 : i32
    "tpu.region"() ({
      %run_scoped3A = tpu.sem_alloc : memref<!tpu.dma_semaphore, #tpu.memory_space<semaphore_mem>>
      %dma_start3A_158 = arith.constant 0 : i32
      %dma_start3A_159 = arith.constant 0 : i32
      %dma_start3A_160 = tpu.memref_slice %arg9[%dma_start3A_158, %dma_start3A_159] : memref<128x32xf32, #tpu.memory_space<vmem>> -> memref<128x32xf32, #tpu.memory_space<vmem>>
      %dma_start3A_161 = arith.constant 0 : i32
      %dma_start3A_162 = tpu.memref_slice %arg13[%add3A_105, %dma_start3A_161] : memref<10240x32xf32, #tpu.memory_space<vmem_shared>> -> memref<128x32xf32, #tpu.memory_space<vmem_shared>>
      %dma_start3A_163 = arith.constant 0 : i32
      %dma_start3A_164 = tpu.memref_slice %arg13[%add3A_105, %dma_start3A_163] : memref<10240x32xf32, #tpu.memory_space<vmem_shared>> -> memref<128x32xf32, #tpu.memory_space<vmem_shared>>
      %dma_start3A_165 = arith.constant 0 : i32
      %dma_start3A_166 = arith.constant 0 : i32
      %dma_start3A_167 = tpu.memref_slice %arg9[%dma_start3A_165, %dma_start3A_166] : memref<128x32xf32, #tpu.memory_space<vmem>> -> memref<128x32xf32, #tpu.memory_space<vmem>>
      tpu.enqueue_dma source(%dma_start3A_167 : memref<128x32xf32, #tpu.memory_space<vmem>>) target(%dma_start3A_164 : memref<128x32xf32, #tpu.memory_space<vmem_shared>>) target_semaphore(%run_scoped3A : memref<!tpu.dma_semaphore, #tpu.memory_space<semaphore_mem>>)
      %dma_wait3A_168 = arith.constant 0 : i32
      %dma_wait3A_169 = arith.constant 0 : i32
      %dma_wait3A_170 = tpu.memref_slice %arg9[%dma_wait3A_168, %dma_wait3A_169] : memref<128x32xf32, #tpu.memory_space<vmem>> -> memref<128x32xf32, #tpu.memory_space<vmem>>
      %dma_wait3A_171 = arith.constant 0 : i32
      %dma_wait3A_172 = tpu.memref_slice %arg13[%add3A_105, %dma_wait3A_171] : memref<10240x32xf32, #tpu.memory_space<vmem_shared>> -> memref<128x32xf32, #tpu.memory_space<vmem_shared>>
      %dma_wait3A_173 = arith.constant 0 : i32
      %dma_wait3A_174 = tpu.memref_slice %arg13[%add3A_105, %dma_wait3A_173] : memref<10240x32xf32, #tpu.memory_space<vmem_shared>> -> memref<128x32xf32, #tpu.memory_space<vmem_shared>>
      %dma_wait3A_175 = arith.constant 0 : i32
      %dma_wait3A_176 = arith.constant 0 : i32
      %dma_wait3A_177 = tpu.memref_slice %arg9[%dma_wait3A_175, %dma_wait3A_176] : memref<128x32xf32, #tpu.memory_space<vmem>> -> memref<128x32xf32, #tpu.memory_space<vmem>>
      tpu.wait_dma2 semaphore(%run_scoped3A : memref<!tpu.dma_semaphore, #tpu.memory_space<semaphore_mem>>) src(%dma_wait3A_177 : memref<128x32xf32, #tpu.memory_space<vmem>>) dst(%dma_wait3A_174 : memref<128x32xf32, #tpu.memory_space<vmem_shared>>)
      tpu.yield
    }) : () -> ()
    %lt3A_106 = arith.constant 15 : i32
    %lt3A_107 = arith.cmpi slt, %arg1, %lt3A_106 : i32
    %convert_element_type3A_108 = arith.extui %lt3A_107 : i1 to i32
    %cond3A_109 = arith.constant 0 : i32
    %cond3A_110 = arith.cmpi ne, %convert_element_type3A_108, %cond3A_109 : i32
    scf.if %cond3A_110 {
      %dma_wait3A_158 = arith.constant 0 : i32
      %dma_wait3A_159 = arith.constant 0 : i32
      %dma_wait3A_160 = tpu.memref_slice %arg14[%dma_wait3A_158, %dma_wait3A_159] : memref<10240x32xf32, #tpu.memory_space<vmem_shared>> -> memref<632x32xf32, #tpu.memory_space<vmem_shared>>
      %dma_wait3A_161 = arith.constant 0 : i32
      %dma_wait3A_162 = arith.constant 0 : i32
      %dma_wait3A_163 = tpu.memref_slice %arg2[%dma_wait3A_161, %dma_wait3A_162] : memref<10000x128xf32, #tpu.memory_space<hbm>> -> memref<632x32xf32, #tpu.memory_space<hbm>>
      tpu.wait_dma2 semaphore(%arg19 : memref<!tpu.dma_semaphore, #tpu.memory_space<semaphore_mem>>) src(%dma_wait3A_163 : memref<632x32xf32, #tpu.memory_space<hbm>>) dst(%dma_wait3A_160 : memref<632x32xf32, #tpu.memory_space<vmem_shared>>)
    } else {
    }
    %eq3A_111 = arith.constant 15 : i32
    %eq3A_112 = arith.cmpi eq, %arg1, %eq3A_111 : i32
    %convert_element_type3A_113 = arith.extui %eq3A_112 : i1 to i32
    %cond3A_114 = arith.constant 0 : i32
    %cond3A_115 = arith.cmpi ne, %convert_element_type3A_113, %cond3A_114 : i32
    scf.if %cond3A_115 {
      %dma_wait3A_158 = arith.constant 0 : i32
      %dma_wait3A_159 = arith.constant 0 : i32
      %dma_wait3A_160 = tpu.memref_slice %arg14[%dma_wait3A_158, %dma_wait3A_159] : memref<10240x32xf32, #tpu.memory_space<vmem_shared>> -> memref<520x32xf32, #tpu.memory_space<vmem_shared>>
      %dma_wait3A_161 = arith.constant 0 : i32
      %dma_wait3A_162 = arith.constant 0 : i32
      %dma_wait3A_163 = tpu.memref_slice %arg2[%dma_wait3A_161, %dma_wait3A_162] : memref<10000x128xf32, #tpu.memory_space<hbm>> -> memref<520x32xf32, #tpu.memory_space<hbm>>
      tpu.wait_dma2 semaphore(%arg19 : memref<!tpu.dma_semaphore, #tpu.memory_space<semaphore_mem>>) src(%dma_wait3A_163 : memref<520x32xf32, #tpu.memory_space<hbm>>) dst(%dma_wait3A_160 : memref<520x32xf32, #tpu.memory_space<vmem_shared>>)
    } else {
    }
    %barrier3A_116 = arith.constant 0 : index
    tpu.barrier barrier_id(%barrier3A_116)
    %dma_start3A_117 = arith.constant 0 : i32
    %dma_start3A_118 = arith.constant 0 : i32
    %dma_start3A_119 = tpu.memref_slice %arg7[%dma_start3A_117, %dma_start3A_118] : memref<160x128xi32, #tpu.memory_space<vmem>> -> memref<1x128xi32, #tpu.memory_space<vmem>>
    %dma_start3A_120 = tpu.memref_squeeze %dma_start3A_119 : memref<1x128xi32, #tpu.memory_space<vmem>> -> memref<128xi32, #tpu.memory_space<vmem>>
    %dma_start3A_121 = arith.constant 0 : i32
    %dma_start3A_122 = arith.constant 0 : i32
    %dma_start3A_123 = tpu.memref_slice %arg14[%dma_start3A_121, %dma_start3A_122] : memref<10240x32xf32, #tpu.memory_space<vmem_shared>> -> memref<10240x32xf32, #tpu.memory_space<vmem_shared>>
    tpu.enqueue_indirect_dma source(%dma_start3A_123 : memref<10240x32xf32, #tpu.memory_space<vmem_shared>>) target(%arg9 : memref<128x32xf32, #tpu.memory_space<vmem>>) offsets(%dma_start3A_120 : memref<128xi32, #tpu.memory_space<vmem>>) semaphore(%arg16 : memref<!tpu.dma_semaphore, #tpu.memory_space<semaphore_mem>>)
    %dma_start3A_124 = arith.constant 1 : i32
    %dma_start3A_125 = arith.constant 0 : i32
    %dma_start3A_126 = tpu.memref_slice %arg7[%dma_start3A_124, %dma_start3A_125] : memref<160x128xi32, #tpu.memory_space<vmem>> -> memref<1x128xi32, #tpu.memory_space<vmem>>
    %dma_start3A_127 = tpu.memref_squeeze %dma_start3A_126 : memref<1x128xi32, #tpu.memory_space<vmem>> -> memref<128xi32, #tpu.memory_space<vmem>>
    %dma_start3A_128 = arith.constant 0 : i32
    %dma_start3A_129 = arith.constant 0 : i32
    %dma_start3A_130 = tpu.memref_slice %arg14[%dma_start3A_128, %dma_start3A_129] : memref<10240x32xf32, #tpu.memory_space<vmem_shared>> -> memref<10240x32xf32, #tpu.memory_space<vmem_shared>>
    tpu.enqueue_indirect_dma source(%dma_start3A_130 : memref<10240x32xf32, #tpu.memory_space<vmem_shared>>) target(%arg10 : memref<128x32xf32, #tpu.memory_space<vmem>>) offsets(%dma_start3A_127 : memref<128xi32, #tpu.memory_space<vmem>>) semaphore(%arg17 : memref<!tpu.dma_semaphore, #tpu.memory_space<semaphore_mem>>)
    %scan3A_131 = arith.constant 0 : i32
    %scan3A_132 = arith.constant 0 : i32
    %scan3A_133 = arith.constant 79 : i32
    %scan3A_134 = arith.addi %scan3A_132, %scan3A_133 : i32
    %scan3A_135 = arith.constant 1 : i32
    scf.for %scan3A_158 = %scan3A_132 to %scan3A_134 step %scan3A_135  : i32 {
      %mul3A_159 = arith.constant 2 : i32
      %mul3A_160 = arith.muli %mul3A_159, %scan3A_158 : i32
      %dma_wait3A_161 = arith.constant 0 : i32
      %dma_wait3A_162 = arith.constant 0 : i32
      %dma_wait3A_163 = tpu.memref_slice %arg7[%dma_wait3A_161, %dma_wait3A_162] : memref<160x128xi32, #tpu.memory_space<vmem>> -> memref<1x128xi32, #tpu.memory_space<vmem>>
      %dma_wait3A_164 = tpu.memref_squeeze %dma_wait3A_163 : memref<1x128xi32, #tpu.memory_space<vmem>> -> memref<128xi32, #tpu.memory_space<vmem>>
      %dma_wait3A_165 = arith.constant 0 : i32
      %dma_wait3A_166 = arith.constant 0 : i32
      %dma_wait3A_167 = tpu.memref_slice %arg14[%dma_wait3A_165, %dma_wait3A_166] : memref<10240x32xf32, #tpu.memory_space<vmem_shared>> -> memref<10240x32xf32, #tpu.memory_space<vmem_shared>>
      tpu.wait_indirect_dma semaphore(%arg16 : memref<!tpu.dma_semaphore, #tpu.memory_space<semaphore_mem>>) src(%dma_wait3A_167 : memref<10240x32xf32, #tpu.memory_space<vmem_shared>>) dst(%arg9 : memref<128x32xf32, #tpu.memory_space<vmem>>)
      %add3A_168 = arith.constant 0 : i32
      %add3A_169 = arith.addi %mul3A_160, %add3A_168 : i32
      %dma_start3A_170 = arith.constant 0 : i32
      %dma_start3A_171 = tpu.memref_slice %arg8[%add3A_169, %dma_start3A_170] : memref<158x128xi32, #tpu.memory_space<vmem>> -> memref<1x128xi32, #tpu.memory_space<vmem>>
      %dma_start3A_172 = tpu.memref_squeeze %dma_start3A_171 : memref<1x128xi32, #tpu.memory_space<vmem>> -> memref<128xi32, #tpu.memory_space<vmem>>
      %dma_start3A_173 = arith.constant 0 : i32
      %dma_start3A_174 = arith.constant 0 : i32
      %dma_start3A_175 = tpu.memref_slice %arg13[%dma_start3A_173, %dma_start3A_174] : memref<10240x32xf32, #tpu.memory_space<vmem_shared>> -> memref<10240x32xf32, #tpu.memory_space<vmem_shared>>
      tpu.enqueue_indirect_dma source(%arg9 : memref<128x32xf32, #tpu.memory_space<vmem>>) target(%dma_start3A_175 : memref<10240x32xf32, #tpu.memory_space<vmem_shared>>) offsets(%dma_start3A_172 : memref<128xi32, #tpu.memory_space<vmem>>) semaphore(%arg18 : memref<!tpu.dma_semaphore, #tpu.memory_space<semaphore_mem>>) {add = true}
      %dma_wait3A_176 = arith.constant 0 : i32
      %dma_wait3A_177 = arith.constant 0 : i32
      %dma_wait3A_178 = tpu.memref_slice %arg7[%dma_wait3A_176, %dma_wait3A_177] : memref<160x128xi32, #tpu.memory_space<vmem>> -> memref<1x128xi32, #tpu.memory_space<vmem>>
      %dma_wait3A_179 = tpu.memref_squeeze %dma_wait3A_178 : memref<1x128xi32, #tpu.memory_space<vmem>> -> memref<128xi32, #tpu.memory_space<vmem>>
      %dma_wait3A_180 = arith.constant 0 : i32
      %dma_wait3A_181 = arith.constant 0 : i32
      %dma_wait3A_182 = tpu.memref_slice %arg14[%dma_wait3A_180, %dma_wait3A_181] : memref<10240x32xf32, #tpu.memory_space<vmem_shared>> -> memref<10240x32xf32, #tpu.memory_space<vmem_shared>>
      tpu.wait_indirect_dma semaphore(%arg17 : memref<!tpu.dma_semaphore, #tpu.memory_space<semaphore_mem>>) src(%dma_wait3A_182 : memref<10240x32xf32, #tpu.memory_space<vmem_shared>>) dst(%arg10 : memref<128x32xf32, #tpu.memory_space<vmem>>)
      %add3A_183 = arith.constant 1 : i32
      %add3A_184 = arith.addi %mul3A_160, %add3A_183 : i32
      %dma_start3A_185 = arith.constant 0 : i32
      %dma_start3A_186 = tpu.memref_slice %arg8[%add3A_184, %dma_start3A_185] : memref<158x128xi32, #tpu.memory_space<vmem>> -> memref<1x128xi32, #tpu.memory_space<vmem>>
      %dma_start3A_187 = tpu.memref_squeeze %dma_start3A_186 : memref<1x128xi32, #tpu.memory_space<vmem>> -> memref<128xi32, #tpu.memory_space<vmem>>
      %dma_start3A_188 = arith.constant 0 : i32
      %dma_start3A_189 = arith.constant 0 : i32
      %dma_start3A_190 = tpu.memref_slice %arg13[%dma_start3A_188, %dma_start3A_189] : memref<10240x32xf32, #tpu.memory_space<vmem_shared>> -> memref<10240x32xf32, #tpu.memory_space<vmem_shared>>
      tpu.enqueue_indirect_dma source(%arg10 : memref<128x32xf32, #tpu.memory_space<vmem>>) target(%dma_start3A_190 : memref<10240x32xf32, #tpu.memory_space<vmem_shared>>) offsets(%dma_start3A_187 : memref<128xi32, #tpu.memory_space<vmem>>) semaphore(%arg18 : memref<!tpu.dma_semaphore, #tpu.memory_space<semaphore_mem>>) {add = true}
      %dma_wait3A_191 = arith.constant 0 : i32
      %dma_wait3A_192 = arith.constant 0 : i32
      %dma_wait3A_193 = tpu.memref_slice %arg8[%dma_wait3A_191, %dma_wait3A_192] : memref<158x128xi32, #tpu.memory_space<vmem>> -> memref<1x128xi32, #tpu.memory_space<vmem>>
      %dma_wait3A_194 = tpu.memref_squeeze %dma_wait3A_193 : memref<1x128xi32, #tpu.memory_space<vmem>> -> memref<128xi32, #tpu.memory_space<vmem>>
      %dma_wait3A_195 = arith.constant 0 : i32
      %dma_wait3A_196 = arith.constant 0 : i32
      %dma_wait3A_197 = tpu.memref_slice %arg13[%dma_wait3A_195, %dma_wait3A_196] : memref<10240x32xf32, #tpu.memory_space<vmem_shared>> -> memref<10240x32xf32, #tpu.memory_space<vmem_shared>>
      tpu.wait_indirect_dma semaphore(%arg18 : memref<!tpu.dma_semaphore, #tpu.memory_space<semaphore_mem>>) src(%arg9 : memref<128x32xf32, #tpu.memory_space<vmem>>) dst(%dma_wait3A_197 : memref<10240x32xf32, #tpu.memory_space<vmem_shared>>)
      %add3A_198 = arith.constant 2 : i32
      %add3A_199 = arith.addi %mul3A_160, %add3A_198 : i32
      %dma_start3A_200 = arith.constant 0 : i32
      %dma_start3A_201 = tpu.memref_slice %arg7[%add3A_199, %dma_start3A_200] : memref<160x128xi32, #tpu.memory_space<vmem>> -> memref<1x128xi32, #tpu.memory_space<vmem>>
      %dma_start3A_202 = tpu.memref_squeeze %dma_start3A_201 : memref<1x128xi32, #tpu.memory_space<vmem>> -> memref<128xi32, #tpu.memory_space<vmem>>
      %dma_start3A_203 = arith.constant 0 : i32
      %dma_start3A_204 = arith.constant 0 : i32
      %dma_start3A_205 = tpu.memref_slice %arg14[%dma_start3A_203, %dma_start3A_204] : memref<10240x32xf32, #tpu.memory_space<vmem_shared>> -> memref<10240x32xf32, #tpu.memory_space<vmem_shared>>
      tpu.enqueue_indirect_dma source(%dma_start3A_205 : memref<10240x32xf32, #tpu.memory_space<vmem_shared>>) target(%arg9 : memref<128x32xf32, #tpu.memory_space<vmem>>) offsets(%dma_start3A_202 : memref<128xi32, #tpu.memory_space<vmem>>) semaphore(%arg16 : memref<!tpu.dma_semaphore, #tpu.memory_space<semaphore_mem>>)
      %dma_wait3A_206 = arith.constant 0 : i32
      %dma_wait3A_207 = arith.constant 0 : i32
      %dma_wait3A_208 = tpu.memref_slice %arg8[%dma_wait3A_206, %dma_wait3A_207] : memref<158x128xi32, #tpu.memory_space<vmem>> -> memref<1x128xi32, #tpu.memory_space<vmem>>
      %dma_wait3A_209 = tpu.memref_squeeze %dma_wait3A_208 : memref<1x128xi32, #tpu.memory_space<vmem>> -> memref<128xi32, #tpu.memory_space<vmem>>
      %dma_wait3A_210 = arith.constant 0 : i32
      %dma_wait3A_211 = arith.constant 0 : i32
      %dma_wait3A_212 = tpu.memref_slice %arg13[%dma_wait3A_210, %dma_wait3A_211] : memref<10240x32xf32, #tpu.memory_space<vmem_shared>> -> memref<10240x32xf32, #tpu.memory_space<vmem_shared>>
      tpu.wait_indirect_dma semaphore(%arg18 : memref<!tpu.dma_semaphore, #tpu.memory_space<semaphore_mem>>) src(%arg10 : memref<128x32xf32, #tpu.memory_space<vmem>>) dst(%dma_wait3A_212 : memref<10240x32xf32, #tpu.memory_space<vmem_shared>>)
      %add3A_213 = arith.constant 2 : i32
      %add3A_214 = arith.addi %mul3A_160, %add3A_213 : i32
      %add3A_215 = arith.constant 1 : i32
      %add3A_216 = arith.addi %add3A_214, %add3A_215 : i32
      %dma_start3A_217 = arith.constant 0 : i32
      %dma_start3A_218 = tpu.memref_slice %arg7[%add3A_216, %dma_start3A_217] : memref<160x128xi32, #tpu.memory_space<vmem>> -> memref<1x128xi32, #tpu.memory_space<vmem>>
      %dma_start3A_219 = tpu.memref_squeeze %dma_start3A_218 : memref<1x128xi32, #tpu.memory_space<vmem>> -> memref<128xi32, #tpu.memory_space<vmem>>
      %dma_start3A_220 = arith.constant 0 : i32
      %dma_start3A_221 = arith.constant 0 : i32
      %dma_start3A_222 = tpu.memref_slice %arg14[%dma_start3A_220, %dma_start3A_221] : memref<10240x32xf32, #tpu.memory_space<vmem_shared>> -> memref<10240x32xf32, #tpu.memory_space<vmem_shared>>
      tpu.enqueue_indirect_dma source(%dma_start3A_222 : memref<10240x32xf32, #tpu.memory_space<vmem_shared>>) target(%arg10 : memref<128x32xf32, #tpu.memory_space<vmem>>) offsets(%dma_start3A_219 : memref<128xi32, #tpu.memory_space<vmem>>) semaphore(%arg17 : memref<!tpu.dma_semaphore, #tpu.memory_space<semaphore_mem>>)
    }
    %scan3A_136 = arith.constant 79 : i32
    %dma_wait3A_137 = arith.constant 0 : i32
    %dma_wait3A_138 = arith.constant 0 : i32
    %dma_wait3A_139 = tpu.memref_slice %arg7[%dma_wait3A_137, %dma_wait3A_138] : memref<160x128xi32, #tpu.memory_space<vmem>> -> memref<1x128xi32, #tpu.memory_space<vmem>>
    %dma_wait3A_140 = tpu.memref_squeeze %dma_wait3A_139 : memref<1x128xi32, #tpu.memory_space<vmem>> -> memref<128xi32, #tpu.memory_space<vmem>>
    %dma_wait3A_141 = arith.constant 0 : i32
    %dma_wait3A_142 = arith.constant 0 : i32
    %dma_wait3A_143 = tpu.memref_slice %arg14[%dma_wait3A_141, %dma_wait3A_142] : memref<10240x32xf32, #tpu.memory_space<vmem_shared>> -> memref<10240x32xf32, #tpu.memory_space<vmem_shared>>
    tpu.wait_indirect_dma semaphore(%arg16 : memref<!tpu.dma_semaphore, #tpu.memory_space<semaphore_mem>>) src(%dma_wait3A_143 : memref<10240x32xf32, #tpu.memory_space<vmem_shared>>) dst(%arg9 : memref<128x32xf32, #tpu.memory_space<vmem>>)
    %dma_wait3A_144 = arith.constant 0 : i32
    %dma_wait3A_145 = arith.constant 0 : i32
    %dma_wait3A_146 = tpu.memref_slice %arg7[%dma_wait3A_144, %dma_wait3A_145] : memref<160x128xi32, #tpu.memory_space<vmem>> -> memref<1x128xi32, #tpu.memory_space<vmem>>
    %dma_wait3A_147 = tpu.memref_squeeze %dma_wait3A_146 : memref<1x128xi32, #tpu.memory_space<vmem>> -> memref<128xi32, #tpu.memory_space<vmem>>
    %dma_wait3A_148 = arith.constant 0 : i32
    %dma_wait3A_149 = arith.constant 0 : i32
    %dma_wait3A_150 = tpu.memref_slice %arg14[%dma_wait3A_148, %dma_wait3A_149] : memref<10240x32xf32, #tpu.memory_space<vmem_shared>> -> memref<10240x32xf32, #tpu.memory_space<vmem_shared>>
    tpu.wait_indirect_dma semaphore(%arg17 : memref<!tpu.dma_semaphore, #tpu.memory_space<semaphore_mem>>) src(%dma_wait3A_150 : memref<10240x32xf32, #tpu.memory_space<vmem_shared>>) dst(%arg10 : memref<128x32xf32, #tpu.memory_space<vmem>>)
    %barrier3A_151 = arith.constant 0 : index
    tpu.barrier barrier_id(%barrier3A_151)
    "tpu.region"() ({
      %run_scoped3A = tpu.sem_alloc : memref<!tpu.dma_semaphore, #tpu.memory_space<semaphore_mem>>
      %dma_start3A_158 = arith.constant 0 : i32
      %dma_start3A_159 = tpu.memref_slice %arg5[%add3A_79, %mul3A_0, %dma_start3A_158] : memref<4x10240x32xf32, #tpu.memory_space<hbm>> -> memref<1x640x32xf32, #tpu.memory_space<hbm>>
      %dma_start3A_160 = tpu.memref_squeeze %dma_start3A_159 : memref<1x640x32xf32, #tpu.memory_space<hbm>> -> memref<640x32xf32, #tpu.memory_space<hbm>>
      %dma_start3A_161 = arith.constant 0 : i32
      %dma_start3A_162 = tpu.memref_slice %arg13[%mul3A_0, %dma_start3A_161] : memref<10240x32xf32, #tpu.memory_space<vmem_shared>> -> memref<640x32xf32, #tpu.memory_space<vmem_shared>>
      tpu.enqueue_dma source(%dma_start3A_162 : memref<640x32xf32, #tpu.memory_space<vmem_shared>>) target(%dma_start3A_160 : memref<640x32xf32, #tpu.memory_space<hbm>>) target_semaphore(%run_scoped3A : memref<!tpu.dma_semaphore, #tpu.memory_space<semaphore_mem>>)
      %dma_wait3A_163 = arith.constant 0 : i32
      %dma_wait3A_164 = tpu.memref_slice %arg5[%add3A_79, %mul3A_0, %dma_wait3A_163] : memref<4x10240x32xf32, #tpu.memory_space<hbm>> -> memref<1x640x32xf32, #tpu.memory_space<hbm>>
      %dma_wait3A_165 = tpu.memref_squeeze %dma_wait3A_164 : memref<1x640x32xf32, #tpu.memory_space<hbm>> -> memref<640x32xf32, #tpu.memory_space<hbm>>
      %dma_wait3A_166 = arith.constant 0 : i32
      %dma_wait3A_167 = tpu.memref_slice %arg13[%mul3A_0, %dma_wait3A_166] : memref<10240x32xf32, #tpu.memory_space<vmem_shared>> -> memref<640x32xf32, #tpu.memory_space<vmem_shared>>
      tpu.wait_dma2 semaphore(%run_scoped3A : memref<!tpu.dma_semaphore, #tpu.memory_space<semaphore_mem>>) src(%dma_wait3A_167 : memref<640x32xf32, #tpu.memory_space<vmem_shared>>) dst(%dma_wait3A_165 : memref<640x32xf32, #tpu.memory_space<hbm>>)
      tpu.yield
    }) : () -> ()
    "tpu.region"() ({
      %run_scoped3A = tpu.sem_alloc : memref<!tpu.dma_semaphore, #tpu.memory_space<semaphore_mem>>
      %dma_start3A_158 = arith.constant 0 : i32
      %dma_start3A_159 = tpu.memref_slice %arg15[%dma_start3A_158, %mul3A_0] : memref<16x10240xf32, #tpu.memory_space<vmem_shared>> -> memref<16x640xf32, #tpu.memory_space<vmem_shared>>
      %dma_start3A_160 = arith.constant 0 : i32
      %dma_start3A_161 = tpu.memref_slice %arg15[%dma_start3A_160, %mul3A_0] : memref<16x10240xf32, #tpu.memory_space<vmem_shared>> -> memref<16x640xf32, #tpu.memory_space<vmem_shared>>
      tpu.enqueue_dma source(%dma_start3A_161 : memref<16x640xf32, #tpu.memory_space<vmem_shared>>) target(%arg12 : memref<16x640xf32, #tpu.memory_space<vmem>>) target_semaphore(%run_scoped3A : memref<!tpu.dma_semaphore, #tpu.memory_space<semaphore_mem>>)
      %dma_wait3A_162 = arith.constant 0 : i32
      %dma_wait3A_163 = tpu.memref_slice %arg15[%dma_wait3A_162, %mul3A_0] : memref<16x10240xf32, #tpu.memory_space<vmem_shared>> -> memref<16x640xf32, #tpu.memory_space<vmem_shared>>
      %dma_wait3A_164 = arith.constant 0 : i32
      %dma_wait3A_165 = tpu.memref_slice %arg15[%dma_wait3A_164, %mul3A_0] : memref<16x10240xf32, #tpu.memory_space<vmem_shared>> -> memref<16x640xf32, #tpu.memory_space<vmem_shared>>
      tpu.wait_dma2 semaphore(%run_scoped3A : memref<!tpu.dma_semaphore, #tpu.memory_space<semaphore_mem>>) src(%dma_wait3A_165 : memref<16x640xf32, #tpu.memory_space<vmem_shared>>) dst(%arg12 : memref<16x640xf32, #tpu.memory_space<vmem>>)
      tpu.yield
    }) : () -> ()
    %scan3A_152 = arith.constant 0 : i32
    %scan3A_153 = arith.constant 0 : i32
    %scan3A_154 = arith.constant 40 : i32
    %scan3A_155 = arith.addi %scan3A_153, %scan3A_154 : i32
    %scan3A_156 = arith.constant 1 : i32
    scf.for %scan3A_158 = %scan3A_153 to %scan3A_155 step %scan3A_156  : i32 {
      %mul3A_159 = arith.constant 16 : i32
      %mul3A_160 = arith.muli %scan3A_158, %mul3A_159 : i32
      %get3A = arith.constant 0 : i32
      %get3A_161 = arith.index_cast %get3A : i32 to index
      %get3A_162 = arith.index_cast %mul3A_160 : i32 to index
      %get3A_163 = tpu.vector_load %arg12[%get3A_161, %get3A_162] {strides = array<i32>} : memref<16x640xf32, #tpu.memory_space<vmem>>, vector<16xf32>,
      %mul3A_164 = arith.constant 16 : i32
      %mul3A_165 = arith.muli %scan3A_158, %mul3A_164 : i32
      %get3A_166 = arith.constant 1 : i32
      %get3A_167 = arith.index_cast %get3A_166 : i32 to index
      %get3A_168 = arith.index_cast %mul3A_165 : i32 to index
      %get3A_169 = tpu.vector_load %arg12[%get3A_167, %get3A_168] {strides = array<i32>} : memref<16x640xf32, #tpu.memory_space<vmem>>, vector<16xf32>,
      %add3A_170 = arith.addf %get3A_163, %get3A_169 : vector<16xf32>
      %mul3A_171 = arith.constant 16 : i32
      %mul3A_172 = arith.muli %scan3A_158, %mul3A_171 : i32
      %get3A_173 = arith.constant 2 : i32
      %get3A_174 = arith.index_cast %get3A_173 : i32 to index
      %get3A_175 = arith.index_cast %mul3A_172 : i32 to index
      %get3A_176 = tpu.vector_load %arg12[%get3A_174, %get3A_175] {strides = array<i32>} : memref<16x640xf32, #tpu.memory_space<vmem>>, vector<16xf32>,
      %add3A_177 = arith.addf %add3A_170, %get3A_176 : vector<16xf32>
      %mul3A_178 = arith.constant 16 : i32
      %mul3A_179 = arith.muli %scan3A_158, %mul3A_178 : i32
      %get3A_180 = arith.constant 3 : i32
      %get3A_181 = arith.index_cast %get3A_180 : i32 to index
      %get3A_182 = arith.index_cast %mul3A_179 : i32 to index
      %get3A_183 = tpu.vector_load %arg12[%get3A_181, %get3A_182] {strides = array<i32>} : memref<16x640xf32, #tpu.memory_space<vmem>>, vector<16xf32>,
      %add3A_184 = arith.addf %add3A_177, %get3A_183 : vector<16xf32>
      %mul3A_185 = arith.constant 16 : i32
      %mul3A_186 = arith.muli %scan3A_158, %mul3A_185 : i32
      %get3A_187 = arith.constant 4 : i32
      %get3A_188 = arith.index_cast %get3A_187 : i32 to index
      %get3A_189 = arith.index_cast %mul3A_186 : i32 to index
      %get3A_190 = tpu.vector_load %arg12[%get3A_188, %get3A_189] {strides = array<i32>} : memref<16x640xf32, #tpu.memory_space<vmem>>, vector<16xf32>,
      %add3A_191 = arith.addf %add3A_184, %get3A_190 : vector<16xf32>
      %mul3A_192 = arith.constant 16 : i32
      %mul3A_193 = arith.muli %scan3A_158, %mul3A_192 : i32
      %get3A_194 = arith.constant 5 : i32
      %get3A_195 = arith.index_cast %get3A_194 : i32 to index
      %get3A_196 = arith.index_cast %mul3A_193 : i32 to index
      %get3A_197 = tpu.vector_load %arg12[%get3A_195, %get3A_196] {strides = array<i32>} : memref<16x640xf32, #tpu.memory_space<vmem>>, vector<16xf32>,
      %add3A_198 = arith.addf %add3A_191, %get3A_197 : vector<16xf32>
      %mul3A_199 = arith.constant 16 : i32
      %mul3A_200 = arith.muli %scan3A_158, %mul3A_199 : i32
      %get3A_201 = arith.constant 6 : i32
      %get3A_202 = arith.index_cast %get3A_201 : i32 to index
      %get3A_203 = arith.index_cast %mul3A_200 : i32 to index
      %get3A_204 = tpu.vector_load %arg12[%get3A_202, %get3A_203] {strides = array<i32>} : memref<16x640xf32, #tpu.memory_space<vmem>>, vector<16xf32>,
      %add3A_205 = arith.addf %add3A_198, %get3A_204 : vector<16xf32>
      %mul3A_206 = arith.constant 16 : i32
      %mul3A_207 = arith.muli %scan3A_158, %mul3A_206 : i32
      %get3A_208 = arith.constant 7 : i32
      %get3A_209 = arith.index_cast %get3A_208 : i32 to index
      %get3A_210 = arith.index_cast %mul3A_207 : i32 to index
      %get3A_211 = tpu.vector_load %arg12[%get3A_209, %get3A_210] {strides = array<i32>} : memref<16x640xf32, #tpu.memory_space<vmem>>, vector<16xf32>,
      %add3A_212 = arith.addf %add3A_205, %get3A_211 : vector<16xf32>
      %mul3A_213 = arith.constant 16 : i32
      %mul3A_214 = arith.muli %scan3A_158, %mul3A_213 : i32
      %get3A_215 = arith.constant 8 : i32
      %get3A_216 = arith.index_cast %get3A_215 : i32 to index
      %get3A_217 = arith.index_cast %mul3A_214 : i32 to index
      %get3A_218 = tpu.vector_load %arg12[%get3A_216, %get3A_217] {strides = array<i32>} : memref<16x640xf32, #tpu.memory_space<vmem>>, vector<16xf32>,
      %add3A_219 = arith.addf %add3A_212, %get3A_218 : vector<16xf32>
      %mul3A_220 = arith.constant 16 : i32
      %mul3A_221 = arith.muli %scan3A_158, %mul3A_220 : i32
      %get3A_222 = arith.constant 9 : i32
      %get3A_223 = arith.index_cast %get3A_222 : i32 to index
      %get3A_224 = arith.index_cast %mul3A_221 : i32 to index
      %get3A_225 = tpu.vector_load %arg12[%get3A_223, %get3A_224] {strides = array<i32>} : memref<16x640xf32, #tpu.memory_space<vmem>>, vector<16xf32>,
      %add3A_226 = arith.addf %add3A_219, %get3A_225 : vector<16xf32>
      %mul3A_227 = arith.constant 16 : i32
      %mul3A_228 = arith.muli %scan3A_158, %mul3A_227 : i32
      %get3A_229 = arith.constant 10 : i32
      %get3A_230 = arith.index_cast %get3A_229 : i32 to index
      %get3A_231 = arith.index_cast %mul3A_228 : i32 to index
      %get3A_232 = tpu.vector_load %arg12[%get3A_230, %get3A_231] {strides = array<i32>} : memref<16x640xf32, #tpu.memory_space<vmem>>, vector<16xf32>,
      %add3A_233 = arith.addf %add3A_226, %get3A_232 : vector<16xf32>
      %mul3A_234 = arith.constant 16 : i32
      %mul3A_235 = arith.muli %scan3A_158, %mul3A_234 : i32
      %get3A_236 = arith.constant 11 : i32
      %get3A_237 = arith.index_cast %get3A_236 : i32 to index
      %get3A_238 = arith.index_cast %mul3A_235 : i32 to index
      %get3A_239 = tpu.vector_load %arg12[%get3A_237, %get3A_238] {strides = array<i32>} : memref<16x640xf32, #tpu.memory_space<vmem>>, vector<16xf32>,
      %add3A_240 = arith.addf %add3A_233, %get3A_239 : vector<16xf32>
      %mul3A_241 = arith.constant 16 : i32
      %mul3A_242 = arith.muli %scan3A_158, %mul3A_241 : i32
      %get3A_243 = arith.constant 12 : i32
      %get3A_244 = arith.index_cast %get3A_243 : i32 to index
      %get3A_245 = arith.index_cast %mul3A_242 : i32 to index
      %get3A_246 = tpu.vector_load %arg12[%get3A_244, %get3A_245] {strides = array<i32>} : memref<16x640xf32, #tpu.memory_space<vmem>>, vector<16xf32>,
      %add3A_247 = arith.addf %add3A_240, %get3A_246 : vector<16xf32>
      %mul3A_248 = arith.constant 16 : i32
      %mul3A_249 = arith.muli %scan3A_158, %mul3A_248 : i32
      %get3A_250 = arith.constant 13 : i32
      %get3A_251 = arith.index_cast %get3A_250 : i32 to index
      %get3A_252 = arith.index_cast %mul3A_249 : i32 to index
      %get3A_253 = tpu.vector_load %arg12[%get3A_251, %get3A_252] {strides = array<i32>} : memref<16x640xf32, #tpu.memory_space<vmem>>, vector<16xf32>,
      %add3A_254 = arith.addf %add3A_247, %get3A_253 : vector<16xf32>
      %mul3A_255 = arith.constant 16 : i32
      %mul3A_256 = arith.muli %scan3A_158, %mul3A_255 : i32
      %get3A_257 = arith.constant 14 : i32
      %get3A_258 = arith.index_cast %get3A_257 : i32 to index
      %get3A_259 = arith.index_cast %mul3A_256 : i32 to index
      %get3A_260 = tpu.vector_load %arg12[%get3A_258, %get3A_259] {strides = array<i32>} : memref<16x640xf32, #tpu.memory_space<vmem>>, vector<16xf32>,
      %add3A_261 = arith.addf %add3A_254, %get3A_260 : vector<16xf32>
      %mul3A_262 = arith.constant 16 : i32
      %mul3A_263 = arith.muli %scan3A_158, %mul3A_262 : i32
      %get3A_264 = arith.constant 15 : i32
      %get3A_265 = arith.index_cast %get3A_264 : i32 to index
      %get3A_266 = arith.index_cast %mul3A_263 : i32 to index
      %get3A_267 = tpu.vector_load %arg12[%get3A_265, %get3A_266] {strides = array<i32>} : memref<16x640xf32, #tpu.memory_space<vmem>>, vector<16xf32>,
      %add3A_268 = arith.addf %add3A_261, %get3A_267 : vector<16xf32>
      %mul3A_269 = arith.constant 16 : i32
      %mul3A_270 = arith.muli %scan3A_158, %mul3A_269 : i32
      %swap3A = arith.index_cast %mul3A_270 : i32 to index
      %swap3A_271 = tpu.vector_load %arg11[%swap3A] {strides = array<i32>} : memref<10240xf32, #tpu.memory_space<vmem>>, vector<16xf32>,
      tpu.vector_store %arg11[%swap3A], %add3A_268 {strides = array<i32>} : memref<10240xf32, #tpu.memory_space<vmem>>, vector<16xf32>,
    }
    %scan3A_157 = arith.constant 40 : i32
    "tpu.region"() ({
      %run_scoped3A = tpu.sem_alloc : memref<!tpu.dma_semaphore, #tpu.memory_space<semaphore_mem>>
      %dma_start3A_158 = arith.constant 0 : i32
      %dma_start3A_159 = tpu.memref_slice %arg11[%dma_start3A_158] : memref<10240xf32, #tpu.memory_space<vmem>> -> memref<640xf32, #tpu.memory_space<vmem>>
      %dma_start3A_160 = tpu.memref_slice %arg6[%arg0, %mul3A_0] : memref<2x10240xf32, #tpu.memory_space<hbm>> -> memref<1x640xf32, #tpu.memory_space<hbm>>
      %dma_start3A_161 = tpu.memref_squeeze %dma_start3A_160 : memref<1x640xf32, #tpu.memory_space<hbm>> -> memref<640xf32, #tpu.memory_space<hbm>>
      %dma_start3A_162 = tpu.memref_slice %arg6[%arg0, %mul3A_0] : memref<2x10240xf32, #tpu.memory_space<hbm>> -> memref<1x640xf32, #tpu.memory_space<hbm>>
      %dma_start3A_163 = tpu.memref_squeeze %dma_start3A_162 : memref<1x640xf32, #tpu.memory_space<hbm>> -> memref<640xf32, #tpu.memory_space<hbm>>
      %dma_start3A_164 = arith.constant 0 : i32
      %dma_start3A_165 = tpu.memref_slice %arg11[%dma_start3A_164] : memref<10240xf32, #tpu.memory_space<vmem>> -> memref<640xf32, #tpu.memory_space<vmem>>
      tpu.enqueue_dma source(%dma_start3A_165 : memref<640xf32, #tpu.memory_space<vmem>>) target(%dma_start3A_163 : memref<640xf32, #tpu.memory_space<hbm>>) target_semaphore(%run_scoped3A : memref<!tpu.dma_semaphore, #tpu.memory_space<semaphore_mem>>)
      %dma_wait3A_166 = arith.constant 0 : i32
      %dma_wait3A_167 = tpu.memref_slice %arg11[%dma_wait3A_166] : memref<10240xf32, #tpu.memory_space<vmem>> -> memref<640xf32, #tpu.memory_space<vmem>>
      %dma_wait3A_168 = tpu.memref_slice %arg6[%arg0, %mul3A_0] : memref<2x10240xf32, #tpu.memory_space<hbm>> -> memref<1x640xf32, #tpu.memory_space<hbm>>
      %dma_wait3A_169 = tpu.memref_squeeze %dma_wait3A_168 : memref<1x640xf32, #tpu.memory_space<hbm>> -> memref<640xf32, #tpu.memory_space<hbm>>
      %dma_wait3A_170 = tpu.memref_slice %arg6[%arg0, %mul3A_0] : memref<2x10240xf32, #tpu.memory_space<hbm>> -> memref<1x640xf32, #tpu.memory_space<hbm>>
      %dma_wait3A_171 = tpu.memref_squeeze %dma_wait3A_170 : memref<1x640xf32, #tpu.memory_space<hbm>> -> memref<640xf32, #tpu.memory_space<hbm>>
      %dma_wait3A_172 = arith.constant 0 : i32
      %dma_wait3A_173 = tpu.memref_slice %arg11[%dma_wait3A_172] : memref<10240xf32, #tpu.memory_space<vmem>> -> memref<640xf32, #tpu.memory_space<vmem>>
      tpu.wait_dma2 semaphore(%run_scoped3A : memref<!tpu.dma_semaphore, #tpu.memory_space<semaphore_mem>>) src(%dma_wait3A_173 : memref<640xf32, #tpu.memory_space<vmem>>) dst(%dma_wait3A_171 : memref<640xf32, #tpu.memory_space<hbm>>)
      tpu.yield
    }) : () -> ()
    return
  }
}

module attributes {stable_mosaic.version = 14 : i64} {
  func.func @_tc_body(%arg0: i32, %arg1: memref<4x400x32xf32, #tpu.memory_space<vmem>>, %arg2: memref<400x2xf32, #tpu.memory_space<vmem>>, %arg3: memref<400x128xf32, #tpu.memory_space<vmem>>, %arg4: memref<128x128xf32, #tpu.memory_space<vmem>>, %arg5: memref<128x128xf32, #tpu.memory_space<vmem>>, %arg6: memref<1x128xf32, #tpu.memory_space<vmem>>, %arg7: memref<400x128xf32, #tpu.memory_space<vmem>>) attributes {dimension_semantics = [#tpu.dimension_semantics<arbitrary>], iteration_bounds = array<i64: 25>, scalar_prefetch = 0 : i64, scratch_operands = 0 : i64, tpu.core_type = #tpu.core_type<tc>, window_params = [{transform_indices = @transform_0, window_bounds = array<i64: 4, 400, 32>}, {transform_indices = @transform_1, window_bounds = array<i64: 400, 2>}, {transform_indices = @transform_2, window_bounds = array<i64: 400, 128>}, {pipeline_mode = #tpu.pipeline_mode<synchronous>, transform_indices = @transform_3, window_bounds = array<i64: 128, 128>}, {pipeline_mode = #tpu.pipeline_mode<synchronous>, transform_indices = @transform_4, window_bounds = array<i64: 128, 128>}, {pipeline_mode = #tpu.pipeline_mode<synchronous>, transform_indices = @transform_5, window_bounds = array<i64: 1, 128>}, {transform_indices = @transform_6, window_bounds = array<i64: 400, 128>}]} {
    %get3A = arith.constant 0 : index
    %get3A_0 = arith.constant 0 : index
    %get3A_1 = arith.constant 0 : index
    %get3A_2 = vector.load %arg1[%get3A, %get3A_0, %get3A_1] : memref<4x400x32xf32, #tpu.memory_space<vmem>>, vector<1x400x32xf32>
    %get3A_3 = vector.shape_cast %get3A_2 : vector<1x400x32xf32> to vector<400x32xf32>
    %get3A_4 = arith.constant 1 : index
    %get3A_5 = arith.constant 0 : index
    %get3A_6 = arith.constant 0 : index
    %get3A_7 = vector.load %arg1[%get3A_4, %get3A_5, %get3A_6] : memref<4x400x32xf32, #tpu.memory_space<vmem>>, vector<1x400x32xf32>
    %get3A_8 = vector.shape_cast %get3A_7 : vector<1x400x32xf32> to vector<400x32xf32>
    %get3A_9 = arith.constant 2 : index
    %get3A_10 = arith.constant 0 : index
    %get3A_11 = arith.constant 0 : index
    %get3A_12 = vector.load %arg1[%get3A_9, %get3A_10, %get3A_11] : memref<4x400x32xf32, #tpu.memory_space<vmem>>, vector<1x400x32xf32>
    %get3A_13 = vector.shape_cast %get3A_12 : vector<1x400x32xf32> to vector<400x32xf32>
    %get3A_14 = arith.constant 3 : index
    %get3A_15 = arith.constant 0 : index
    %get3A_16 = arith.constant 0 : index
    %get3A_17 = vector.load %arg1[%get3A_14, %get3A_15, %get3A_16] : memref<4x400x32xf32, #tpu.memory_space<vmem>>, vector<1x400x32xf32>
    %get3A_18 = vector.shape_cast %get3A_17 : vector<1x400x32xf32> to vector<400x32xf32>
    %concatenate3A = tpu.concatenate %get3A_3, %get3A_8, %get3A_13, %get3A_18 in 1 : vector<400x32xf32>, vector<400x32xf32>, vector<400x32xf32>, vector<400x32xf32> -> vector<400x128xf32>
    %get3A_19 = arith.constant 0 : index
    %get3A_20 = arith.constant 0 : index
    %get3A_21 = vector.load %arg2[%get3A_19, %get3A_20] : memref<400x2xf32, #tpu.memory_space<vmem>>, vector<400x1xf32>
    %get3A_22 = arith.constant 0 : index
    %get3A_23 = arith.constant 1 : index
    %get3A_24 = vector.load %arg2[%get3A_22, %get3A_23] : memref<400x2xf32, #tpu.memory_space<vmem>>, vector<400x1xf32>
    %add3A = arith.addf %get3A_21, %get3A_24 : vector<400x1xf32>
    %mul3A = arith.constant 5.000000e-01 : f32
    %mul3A_25 = vector.broadcast %mul3A : f32 to vector<400x1xf32>
    %mul3A_26 = arith.mulf %mul3A_25, %add3A : vector<400x1xf32>
    %jit3A = arith.constant 1.000000e+00 : f32
    %max3A = vector.broadcast %jit3A : f32 to vector<400x1xf32>
    %max3A_27 = arith.maximumf %max3A, %mul3A_26 : vector<400x1xf32>
    %div3A = vector.broadcast %max3A_27 : vector<400x1xf32> to vector<400x128xf32>
    %div3A_28 = arith.divf %concatenate3A, %div3A : vector<400x128xf32>
    %get3A_29 = arith.constant 0 : index
    %get3A_30 = arith.constant 0 : index
    %get3A_31 = vector.load %arg4[%get3A_29, %get3A_30] : memref<128x128xf32, #tpu.memory_space<vmem>>, vector<128x128xf32>
    %dot_general3A = arith.constant dense<0.000000e+00> : vector<400x128xf32>
    %dot_general3A_32 = tpu.matmul %div3A_28, %get3A_31, %dot_general3A {dimension_numbers = #tpu.dot_dimension_numbers<[1], [0], [0], [1], [0, 0, 1, 1], [], []>, transpose_lhs_hint = false} : vector<400x128xf32>, vector<128x128xf32>, vector<400x128xf32> -> vector<400x128xf32>
    %get3A_33 = arith.constant 0 : index
    %get3A_34 = arith.constant 0 : index
    %get3A_35 = vector.load %arg3[%get3A_33, %get3A_34] : memref<400x128xf32, #tpu.memory_space<vmem>>, vector<400x128xf32>
    %get3A_36 = arith.constant 0 : index
    %get3A_37 = arith.constant 0 : index
    %get3A_38 = vector.load %arg5[%get3A_36, %get3A_37] : memref<128x128xf32, #tpu.memory_space<vmem>>, vector<128x128xf32>
    %dot_general3A_39 = arith.constant dense<0.000000e+00> : vector<400x128xf32>
    %dot_general3A_40 = tpu.matmul %get3A_35, %get3A_38, %dot_general3A_39 {dimension_numbers = #tpu.dot_dimension_numbers<[1], [0], [0], [1], [0, 0, 1, 1], [], []>, transpose_lhs_hint = false} : vector<400x128xf32>, vector<128x128xf32>, vector<400x128xf32> -> vector<400x128xf32>
    %add3A_41 = arith.addf %dot_general3A_32, %dot_general3A_40 : vector<400x128xf32>
    %get3A_42 = arith.constant 0 : index
    %get3A_43 = arith.constant 0 : index
    %get3A_44 = vector.load %arg6[%get3A_42, %get3A_43] : memref<1x128xf32, #tpu.memory_space<vmem>>, vector<1x128xf32>
    %add3A_45 = vector.broadcast %get3A_44 : vector<1x128xf32> to vector<400x128xf32>
    %add3A_46 = arith.addf %add3A_41, %add3A_45 : vector<400x128xf32>
    %swap3A = arith.constant 0 : index
    %swap3A_47 = arith.constant 0 : index
    %swap3A_48 = vector.load %arg7[%swap3A, %swap3A_47] : memref<400x128xf32, #tpu.memory_space<vmem>>, vector<400x128xf32>
    tpu.vector_store %arg7[%swap3A, %swap3A_47], %add3A_46 {strides = array<i32>} : memref<400x128xf32, #tpu.memory_space<vmem>>, vector<400x128xf32>,
    return
  }
  func.func @transform_0(%arg0: i32) -> (i32, i32, i32) {
    %c0_i32 = arith.constant 0 : i32
    %c0_i32_0 = arith.constant 0 : i32
    %c0_i32_1 = arith.constant 0 : i32
    return %c0_i32, %arg0, %c0_i32_0 : i32, i32, i32
  }
  func.func @transform_1(%arg0: i32) -> (i32, i32) {
    %c0_i32 = arith.constant 0 : i32
    %c0_i32_0 = arith.constant 0 : i32
    return %arg0, %c0_i32 : i32, i32
  }
  func.func @transform_2(%arg0: i32) -> (i32, i32) {
    %c0_i32 = arith.constant 0 : i32
    %c0_i32_0 = arith.constant 0 : i32
    return %arg0, %c0_i32 : i32, i32
  }
  func.func @transform_3(%arg0: i32) -> (i32, i32) {
    %c0_i32 = arith.constant 0 : i32
    %c0_i32_0 = arith.constant 0 : i32
    %c0_i32_1 = arith.constant 0 : i32
    return %c0_i32, %c0_i32_0 : i32, i32
  }
  func.func @transform_4(%arg0: i32) -> (i32, i32) {
    %c0_i32 = arith.constant 0 : i32
    %c0_i32_0 = arith.constant 0 : i32
    %c0_i32_1 = arith.constant 0 : i32
    return %c0_i32, %c0_i32_0 : i32, i32
  }
  func.func @transform_5(%arg0: i32) -> (i32, i32) {
    %c0_i32 = arith.constant 0 : i32
    %c0_i32_0 = arith.constant 0 : i32
    %c0_i32_1 = arith.constant 0 : i32
    return %c0_i32, %c0_i32_0 : i32, i32
  }
  func.func @transform_6(%arg0: i32) -> (i32, i32) {
    %c0_i32 = arith.constant 0 : i32
    %c0_i32_0 = arith.constant 0 : i32
    return %arg0, %c0_i32 : i32, i32
  }
}

</mosaic_0001>

<sc_bundles>
// kernel: kernel.4.cloned.1.call-start
scs
__scs_entry_jumppad:
0x0: {  	(pc) =	sbr.rel $0x88, $3  }
0x1: {  	(tag) =	ssettag $0x0;
	lr =	simm.s32 $0x1  }
0x2: {  	[smem:$0x3F9C] =	sst lr;
	_ =	strace $0xD0000000  }
0x3: {  	_ = 	snop  }
0x4: {  	_ = 	snop  }
0x5: {  	_ = 	snop  }
0x6: {  	_ = 	snop  }
0x7: {  	_ = 	snop  }
__scs_overlays_trampoline_lowered:
0x8: {  	[smem:$0x3FAB] =	sst s0  }
0x9: {  	[smem:$0x3FAC] =	sst s1  }
0xa: {  	[smem:$0x3FAD] =	sst s2  }
0xb: {  	[smem:$0x3FAE] =	sst s3  }
0xc: {  	[smem:$0x3FAF] =	sst s4  }
0xd: {  	[smem:$0x3FB0] =	sst s5  }
0xe: {  	[smem:$0x3FB1] =	sst s6  }
0xf: {  	[smem:$0x3FB2] =	sst s7  }
0x10: {  	[smem:$0x3FB3] =	sst s8  }
0x11: {  	[smem:$0x3FB4] =	sst s9;
	s0 =	simm.s32 @!p0 $0x0  }
0x12: {  	s1 =	sld [smem:$0x3F9A];
	s0 =	simm.s32 @p0 $0x1  }
0x13: {  	[smem:$0x3FB5] =	sst s0;
	s0 =	simm.s32 @!p1 $0x0  }
0x14: {  	s2 =	sld [smem:$0x3F99];
	s0 =	simm.s32 @p1 $0x1  }
0x15: {  	[smem:$0x3FB6] =	sst s0;
	s0 =	simm.s32 @!p2 $0x0  }
0x16: {  	s3 =	sld [smem:$0x3FDB];
	s0 =	simm.s32 @p2 $0x1  }
0x17: {  	s4 =	simm.s32 $0x1BF5;
	[smem:$0x3FB8] =	sst s0  }
0x18: {  	s0 =	sld [smem:$0x3F9B];
	_ =	swait.ge [sflag:s4], $0x0  }
0x19: {  	s7 =	sld [smem:$0x3F9C]  }
0x1a: {  	s8 =	sadd.s32 $0xFFFFE003, lr  }
0x1b: {  	s9 =	sadd.s32 $0xFFFFFEF7, lr;
	s5 =	simm.s32 $0xFFFFFFFF;
	p2 =	slt.u32 s8, $0xFFFFF086  }
0x1c: {  	p1 =	slt.u32 s9, $0xF7A;
	s5 =	simm.s32 @!p2 $0x0  }
0x1d: {  	s5 =	simm.s32 @p1 $0x1;
	p0 =	seq.s32 s7, s2  }
0x1e: {  	s7 =	smul.u32 @!p0 $0xF7A, s2;
	p2 =	seq.s32 @!p0 s5, $0x0  }
0x1f: {  	s9 =	smul.u32 $0xF7A, s1;
	s8 =	simm.s32 @!p0 $0x1BF5;
	p2 =	por !p2, p0  }
0x20: {  	[sflag:s8] =	ssyncset.s32 @!p0 $0xFFFFF086;
	s6 =	sadd.s32 @!p0 s3, s7;
	s7 =	simm.s32 @!p0 $0x108  }
0x21: {  	s3 =	sadd.s32 s3, s9;
	s6 =	sadd.s32 @!p0 $0x88, s6;
	s7 =	simm.s32 @p2 $0x1082  }
0x22: {  	[simem:s7], [sflag:s8] =	dma.local @!p0 [hbm:s6], $0xF7A  }
0x23: {  	s9 =	sor.u32 $0xD0000000, s2;
	s6 =	simm.s32 $0x108;
	_ =	swait.ge @!p0 [sflag:s8], $0x0  }
0x24: {  	s3 =	sadd.s32 $0x88, s3;
	s6 =	simm.s32 @!p1 $0x1082;
	[sflag:s4] =	ssyncset.s32 $0xFFFFF086  }
0x25: {  	[simem:s6], [sflag:s4] =	dma.local [hbm:s3], $0xF7A  }
0x26: {  	[smem:$0x3F9C] =	sst s1;
	(tag) =	ssettag s2;
	_ =	strace s9  }
0x27: {  	s1 =	sld [smem:$0x3FAC]  }
0x28: {  	s2 =	sld [smem:$0x3FAD]  }
0x29: {  	s4 =	sld [smem:$0x3FAF]  }
0x2a: {  	p0 =	seq.s32 s5, $0x0;
	s5 =	sld [smem:$0x3FB0]  }
0x2b: {  	s6 =	sld [smem:$0x3FB1]  }
0x2c: {  	s7 =	sld [smem:$0x3FB2]  }
0x2d: {  	s3 =	simm.s32 $0x108;
	s8 =	sld [smem:$0x3FB3]  }
0x2e: {  	s3 =	simm.s32 @!p0 $0x1082;
	s9 =	sld [smem:$0x3FB4]  }
0x2f: {  	lr =	sadd.s32 s0, s3;
	s0 =	sld [smem:$0x3FAB]  }
0x30: {  	s3 =	sld [smem:$0x3FAE]  }
0x31: {  	[smem:$0x3FB7] =	sst s10  }
0x32: {  	s10 =	sld [smem:$0x3FB5];
	_ =	sdelay $0x3  }
0x33: {  	p0 =	seq.s32 s10, $0x1;
	s10 =	sld [smem:$0x3FB7];
	_ =	sdelay $0x3  }
0x34: {  	[smem:$0x3FB7] =	sst s10  }
0x35: {  	s10 =	sld [smem:$0x3FB6];
	_ =	sdelay $0x3  }
0x36: {  	p1 =	seq.s32 s10, $0x1;
	s10 =	sld [smem:$0x3FB7];
	_ =	sdelay $0x3  }
0x37: {  	[smem:$0x3FB7] =	sst s10  }
0x38: {  	s10 =	sld [smem:$0x3FB8]  }
0x39: {  	_ = 	snop;
	(pc) =	sbr.ind lr, $3  }
0x3a: {  	_ = 	snop  }
0x3b: {  	_ = 	snop  }
0x3c: {  	p2 =	seq.s32 s10, $0x1;
	s10 =	sld [smem:$0x3FB7]  }
0x3d: {  	_ =	shalt  }
0x3e: {  	_ =	shalt  }
0x3f: {  	_ =	shalt  }
0x40: {  	_ =	shalt  }
0x41: {  	_ =	shalt  }
0x42: {  	_ =	shalt  }
0x43: {  	_ =	shalt  }
0x44: {  	_ =	shalt  }
0x45: {  	_ =	shalt  }
0x46: {  	_ =	shalt  }
0x47: {  	_ =	shalt  }
0x48: {  	_ =	shalt  }
0x49: {  	_ =	shalt  }
0x4a: {  	_ =	shalt  }
0x4b: {  	_ =	shalt  }
0x4c: {  	_ =	shalt  }
0x4d: {  	_ =	shalt  }
0x4e: {  	_ =	shalt  }
0x4f: {  	_ =	shalt  }
0x50: {  	_ =	shalt  }
0x51: {  	_ =	shalt  }
0x52: {  	_ =	shalt  }
0x53: {  	_ =	shalt  }
0x54: {  	_ =	shalt  }
0x55: {  	_ =	shalt  }
0x56: {  	_ =	shalt  }
0x57: {  	_ =	shalt  }
0x58: {  	_ =	shalt  }
0x59: {  	_ =	shalt  }
0x5a: {  	_ =	shalt  }
0x5b: {  	_ =	shalt  }
0x5c: {  	_ =	shalt  }
0x5d: {  	_ =	shalt  }
0x5e: {  	_ =	shalt  }
0x5f: {  	_ =	shalt  }
0x60: {  	_ =	shalt  }
0x61: {  	_ =	shalt  }
0x62: {  	_ =	shalt  }
0x63: {  	_ =	shalt  }
0x64: {  	_ =	shalt  }
0x65: {  	_ =	shalt  }
0x66: {  	_ =	shalt  }
0x67: {  	_ =	shalt  }
0x68: {  	_ =	shalt  }
0x69: {  	_ =	shalt  }
0x6a: {  	_ =	shalt  }
0x6b: {  	_ =	shalt  }
0x6c: {  	_ =	shalt  }
0x6d: {  	_ =	shalt  }
0x6e: {  	_ =	shalt  }
0x6f: {  	_ =	shalt  }
0x70: {  	_ =	shalt  }
0x71: {  	_ =	shalt  }
0x72: {  	_ =	shalt  }
0x73: {  	_ =	shalt  }
0x74: {  	_ =	shalt  }
0x75: {  	_ =	shalt  }
0x76: {  	_ =	shalt  }
0x77: {  	_ =	shalt  }
0x78: {  	_ =	shalt  }
0x79: {  	_ =	shalt  }
0x7a: {  	_ =	shalt  }
0x7b: {  	_ =	shalt  }
0x7c: {  	_ =	shalt  }
0x7d: {  	_ =	shalt  }
0x7e: {  	_ =	shalt  }
0x7f: {  	_ =	shalt  }
0x80: {  	_ =	shalt  }
0x81: {  	_ =	shalt  }
0x82: {  	_ =	shalt  }
0x83: {  	_ =	shalt  }
0x84: {  	_ =	shalt  }
0x85: {  	_ =	shalt  }
0x86: {  	_ =	shalt  }
0x87: {  	_ =	shalt  }
.Lfunc_end0:
.L_simem_size_0:
called_computation_lowered:
.L_overlay_start_0:
0x88: {  	s2 =	sld [smem:$0x3FD9]  }
0x89: {  	s3 =	sld [smem:$0x3FFE];
	_ =	sdelay $0x1  }
0x8a: {  	s1 =	srdreg.scid  }
0x8b: {  	s0 =	sand.u32 $0x1, s1  }
0x8c: {  	s17 =	sshll.u32 s0, $0xA;
	s2 =	sadd.s32 s3, s2  }
0x8d: {  	s2 =	sadd.s32 s2, s17  }
0x8e: {  	[smem:$0x3FC3] =	sst s2  }
0x8f: {  	_ = 	snop  }
0x90: {  	s2 =	sld [smem:$0x3FC9]  }
0x91: {  	s18 =	sld [smem:$0x3FD0];
	(tm) =	ssettm $0x1  }
0x92: {  	s4 =	sld [smem:$0x3FFB];
	_ =	sdelay $0x3  }
0x93: {  	_ =	strace s4  }
0x94: {  	s4 =	sld [smem:$0x3FFC];
	_ =	sdelay $0x3  }
0x95: {  	_ =	strace s4  }
0x96: {  	s4 =	sld [smem:$0x3FFD];
	_ =	sdelay $0x3  }
0x97: {  	_ =	strace s4  }
0x98: {  	_ =	strace $0x8FFFFFFF  }
0x99: {  	s19 =	sld [smem:$0x3FDB];
	_ =	sdelay $0x1  }
0x9a: {  	s5 =	simm.s32 $_scs_section_size  }
0x9b: {  	s6 =	simm.s32 $_size__tile_overlayer_lowered;
	s7 =	simm.s32 $_tile_overlayer_lowered  }
0x9c: {  	s22 =	simm.s32 $0x1BFF;
	s21 =	sshll.u32 s7, $0x1;
	s4 =	sadd.s32 s5, s19  }
0x9d: {  	s8 =	simm.s32 $0x0;
	s20 =	sshll.u32 s6, $0x1;
	s6 =	sadd.s32 s21, s4  }
0x9e: {  	[timem:s8], [sflag:s22] =	dma.local [hbm:s6], s20  }
0x9f: {  	_ =	swait.ge [sflag:s22], s20  }
0xa0: {  	s5 =	ssub.s32 $0x0, s20;
	[sflag:s22] =	ssyncset.done $0x0  }
0xa1: {  	[sflag:s22] =	ssyncadd.s32 s5;
	_ =	sdelay $0x1  }
0xa2: {  	s23 =	simm.s32 $0x1B8B  }
0xa3: {  	_ =	swait.ge [sflag:s23], $0x1  }
0xa4: {  	[sflag:s23] =	ssyncset.done $0x0  }
0xa5: {  	s25 =	simm.s32 $0x1B8E;
	s24 =	sld [smem:$0x3FFE];
	[sflag:s23] =	ssyncadd.s32 $0xFFFFFFFF  }
0xa6: {  	s26 =	simm.s32 $execute0_lowered;
	[smem:$0x3FD2] =	sst s25  }
0xa7: {  	s6 =	sshll.u32 s26, $0x1;
	_ =	strace $0x80000046;
	[dreg:$0x1] =	wrdreg $0xFFFFFFFF  }
0xa8: {  	s28 =	simm.s32 $_size_execute0_lowered;
	s4 =	sadd.s32 s4, s6;
	[dreg:$0x0] =	wrdreg $0x0  }
0xa9: {  	s6 =	sshll.u32 s28, $0x1;
	[dreg:$0x2] =	wrdreg s4  }
0xaa: {  	[dreg:$0x3] =	wrdreg s6  }
0xab: {  	[dreg:$0x4] =	wrdreg $0xC0  }
0xac: {  	_ =	task [dreg:s8], $0x5FFFF  }
0xad: {  	[dreg:$0x1] =	wrdreg $0xFFFFFFFF  }
0xae: {  	[dreg:$0x0] =	wrdreg $0x60  }
0xaf: {  	[dreg:$0x2] =	wrdreg s2  }
0xb0: {  	[dreg:$0x3] =	wrdreg s18  }
0xb1: {  	[dreg:$0x4] =	wrdreg s24  }
0xb2: {  	[dreg:$0x5] =	wrdreg $0x15F000  }
0xb3: {  	[dreg:$0x6] =	wrdreg $0x10F000  }
0xb4: {  	[dreg:$0x7] =	wrdreg $0x1AF000  }
0xb5: {  	[dreg:$0x8] =	wrdreg $0x9  }
0xb6: {  	_ =	task.clear_ibuf [dreg:s8], $0x9FFFF;
	_ =	strace $0x90000046  }
0xb7: {  	s29 =	simm.s32 $0x9;
	_ =	strace $0x80000048  }
0xb8: {  	_ =	swait.ge [sflag:s29], $0x1  }
0xb9: {  	[sflag:s29] =	ssyncadd.s32 $0xFFFFFFFF  }
0xba: {  	_ =	strace $0x90000048  }
0xbb: {  	_ =	sfence  }
0xbc: {  	s30 =	sld [smem:$0x0];
	_ =	sdelay $0x2  }
0xbd: {  	s31 =	sshll.u32 s1, $0xD;
	s1 =	sshrl.u32 s1, $0x2  }
0xbe: {  	s3 =	sand.u32 $0x4000, s31;
	s1 =	sadd.s32 s1, s30  }
0xbf: {  	s0 =	sor.u32 s3, s0;
	s1 =	sshll.u32 s1, $0x11  }
0xc0: {  	s0 =	sor.u32 s1, s0  }
0xc1: {  	s0 =	sadd.s32 $0x8F2B, s0  }
0xc2: {  	[sflag:s0] =	ssyncadd.remote.s32 $0x1  }
0xc3: {  	_ =	sfence.sel $0xFFFF  }
0xc4: {  	[dreg:$0x0] =	wrdreg $0xFFFFFFFF;
	(pc) =	sbr.abs _section_cstart, $3  }
0xc5: {  	[dreg:$0x1] =	wrdreg $0xFFFFFFFF  }
0xc6: {  	_ =	task.clear_ibuf [dreg:s8], $0x2FFFF;
	_ =	strace $0x9FFFFFFF  }
0xc7: {  	(tm) =	ssettm $0x7FFFFFFF  }
tec
execute0_lowered:
.L_overlay_start_1:
0x0: {  	(tag) =	ssettag $0x1  }
0x1: {  	s0 =	rddreg [dreg:$0x0]  }
0x2: {  	s5 =	rddreg [dreg:$0x1]  }
0x3: {  	s6 =	rddreg [dreg:$0x2]  }
0x4: {  	s2 =	rddreg [dreg:$0x3]  }
0x5: {  	s3 =	rddreg [dreg:$0x4]  }
0x6: {  	s7 =	rddreg [dreg:$0x5];
	s1 =	stileid.u32  }
0x7: {  	s9 =	srdreg.scid;
	s4 =	simm.s32 $0x0;
	s8 =	smul.u32 $0x9E0, s1  }
0x8: {  	s28 =	simm.s32 $0x80;
	s29 =	simm.s32 $0xAF00;
	s10 =	smul.u32 $0x280, s1  }
0x9: {  	s30 =	simm.s32 $0x1;
	s31 =	simm.s32 $0x2;
	s13 =	smul.u32 $0x13C00, s1  }
0xa: {  	s9 =	sand.u32 $0x1, s9;
	[smem:$0x7FF] =	sst s4;
	s15 =	smul.u32 $0xA00, s1  }
0xb: {  	s20 =	sadd.s32 $0xAE00, s6;
	s22 =	sadd.s32 $0x4A100, s2;
	s24 =	smul.u32 $0x14000, s1  }
0xc: {  	s25 =	sadd.s32 $0x25080, s0;
	s26 =	smul.u32 $0x5000, s1;
	p0 =	seq.s32 s1, $0xF  }
0xd: {  	s11 =	smul.u32 $0x2800, s9;
	_ =	strace $0x80000047;
	s12 =	ssub.s32 $0x2, s9  }
0xe: {  	s16 =	sshll.u32 s9, $0x5;
	s21 =	sshll.u32 s9, $0x2;
	[dreg:$0xb] =	wrdreg s22  }
0xf: {  	s8 =	sadd.s32 s8, s6;
	s14 =	sshrl.u32 s12, $0x1;
	s17 =	sor.u32 s16, s13  }
0x10: {  	s5 =	sadd.s32 s5, s15;
	s18 =	sshrl.u32 s13, $0x2;
	s11 =	sadd.s32 s10, s11  }
0x11: {  	s23 =	ssub.s32 s12, s14;
	[dreg:$0x7] =	wrdreg s5;
	s8 =	sadd.s32 $0x1000, s8  }
0x12: {  	s5 =	sadd.s32 s18, s2;
	s18 =	sshrl.u32 s24, $0x2;
	[dreg:$0x8] =	wrdreg s8  }
0x13: {  	s24 =	smul.u32 $0xA000, s1;
	s11 =	sshrl.u32 s11, $0x3;
	[dreg:$0x9] =	wrdreg s5  }
0x14: {  	s5 =	sadd.s32 s21, s25;
	s23 =	smax.u32 s23, $0x1;
	s6 =	sadd.s32 s11, s6  }
0x15: {  	s11 =	sshrl.u32 s17, $0x3;
	s17 =	sor.u32 $0x2, s9;
	[dreg:$0xc] =	wrdreg s5  }
0x16: {  	s5 =	sadd.s32 s18, s3;
	s9 =	smul.u32 $0x50000, s9;
	s19 =	sadd.s32 s0, s11  }
0x17: {  	s11 =	sadd.s32 s26, s3;
	s12 =	sadd.s32 $0x1000, s5;
	s21 =	sshll.u32 s17, $0x2  }
0x18: {  	s22 =	smul.u32 $0x50000, s17;
	[dreg:$0xa] =	wrdreg s19;
	s19 =	sshll.u32 s17, $0x5  }
0x19: {  	s14 =	sadd.s32 $0x2000, s5;
	s16 =	sadd.s32 $0x3000, s5;
	s8 =	sor.u32 s13, s19  }
0x1a: {  	s9 =	sadd.s32 s26, s9;
	s17 =	sadd.s32 $0x4000, s5;
	s8 =	sshrl.u32 s8, $0x3  }
0x1b: {  	s0 =	sadd.s32 s0, s8;
	s8 =	sadd.s32 s26, s22;
	s22 =	sadd.s32 $0x32E00, s6  }
0x1c: {  	[dreg:$0xd] =	wrdreg s0;
	s0 =	sadd.s32 s21, s25;
	s25 =	sshrl.u32 s9, $0x3  }
0x1d: {  	s26 =	sshrl.u32 s8, $0x3;
	s21 =	sadd.s32 s10, s7;
	[dreg:$0xe] =	wrdreg s0  }
0x1e: {  	s0 =	sshrl.u32 s24, $0x2;
	s5 =	sadd.s32 s20, s25;
	s24 =	simm.s32 $0x5  }
0x1f: {  	s25 =	simm.s32 $0x3;
	[dreg:$0xf] =	wrdreg s5;
	s0 =	sadd.s32 s0, s7  }
0x20: {  	s5 =	simm.s32 $0x0;
	[dreg:$0x10] =	wrdreg s0;
	s0 =	sadd.s32 s20, s26  }
0x21: {  	v0 =	vimm.f32 $0.0e+00;
	v1 =	vimm.f32 $1.000000000e+00;
	s26 =	simm.s32 $0x9F00;
	[dreg:$0x11] =	wrdreg s0;
	s0 =	simm.s32 $0xBF00  }
.LBB2_1:
0x22: {  	s6 =	simm.s32 $0x40;
	s7 =	simm.s32 $0x0  }
.LBB2_2:
0x23: {  	p1 =	sne.s32 s6, $0x9FC0;
	[tilespmem:s7+$0xBF00] =	vst v0;
	s7 =	smov.u32 s6;
	s6 =	sadd.s32 $0x40, s6  }
.Ltmp0:
0x24: {  	(pc) =	sbr.rel @p1 .LBB2_2-.Ltmp0, $2  }
0x25: {  	_ =	sdelay $0x2  }
0x26: {  	s7 =	sshra.s32 s7, $0x2  }
0x27: {  	[tilespmem:s7+$0xBF00] =	vst v0;
	s6 =	rddreg [dreg:$0x7]  }
0x28: {  	[tilespmem:s4], [sflag:$0x5] =	stream.linear.gather [hbm4b:s6+s4], $0x5000, $0x38;
	[tilespmem:$0x1D700] =	vst v63  }
0x29: {  	_ =	swait.ge [sflag:s24], $0x5000  }
0x2a: {  	s20 =	simm.s32 $0x5000;
	[sflag:s24] =	ssyncset.done $0x0  }
0x2b: {  	s7 =	simm.s32 @p0 $0x1;
	s19 =	rddreg [dreg:$0x8];
	[sflag:s24] =	ssyncadd.s32 $0xFFFFB000  }
0x2c: {  	[tilespmem:s20], [sflag:$0x5] =	stream.linear.gather [hbm4b:s19+s4], $0x4F00, $0x38;
	[tilespmem:$0x1D700] =	vst v63  }
0x2d: {  	s8 =	simm.s32 @p0 $0x4;
	s9 =	simm.s32 @p0 $0x10;
	_ =	swait.ge [sflag:s24], $0x4F00  }
0x2e: {  	s10 =	simm.s32 @p0 $0x1FC4;
	[sflag:s24] =	ssyncset.done $0x0;
	s6 =	rddreg [dreg:$0xb]  }
0x2f: {  	s13 =	rddreg [dreg:$0xc];
	[sflag:s24] =	ssyncadd.s32 $0xFFFFB100;
	s6 =	sshrl.u32 @p0 s6, $0x3  }
0x30: {  	[spmem:s6@s8], [sflag:s10] =	dma.strided @p0 [hbm:s13@s9], $0x820, s7, $0x4   }
0x31: {  	s7 =	sshll.u32 @!p0 s1, $0x6;
	s10 =	simm.s32 @!p0 $0x4  }
0x32: {  	s13 =	simm.s32 @!p0 $0x10;
	s8 =	sor.u32 @!p0 $0x1C04, s7;
	s7 =	rddreg [dreg:$0x9]  }
0x33: {  	s15 =	rddreg [dreg:$0xa];
	s9 =	sshrl.u32 @!p0 s7, $0x3;
	s7 =	simm.s32 @!p0 $0x1  }
0x34: {  	[spmem:s9@s10], [sflag:s8] =	dma.strided @!p0 [hbm:s15@s13], $0x9E0, s7, $0x4   }
0x35: {  	s7 =	simm.s32 $0x80;
	s10 =	simm.s32 $0x0  }
.LBB2_4:
0x36: {  	p1 =	sne.s32 s7, $0x3F80;
	[tilespmem:s10+$0x9F00] =	vst v0;
	s13 =	smov.u32 s7;
	s7 =	sadd.s32 $0x80, s7  }
.Ltmp1:
0x37: {  	[tilespmem:s10+$0x9F10] =	vst v0;
	(pc) =	sbr.rel @p1 .LBB2_4-.Ltmp1, $2  }
0x38: {  	_ =	sdelay $0x2  }
0x39: {  	s10 =	sshra.s32 s13, $0x2  }
0x3a: {  	[tilespmem:s10+$0x9F00] =	vst v0  }
0x3b: {  	[tilespmem:s10+$0x9F10] =	vst v0  }
0x3c: {  	[spmem:s11] =	stream.linear.scatter [tilespmem:s26], [sflag:$0x5], $0x1000, $0x38;
	[tilespmem:$0x1D700] =	vst v63  }
0x3d: {  	_ =	swait.ge [sflag:s24], $0x1000  }
0x3e: {  	[sflag:s24] =	ssyncset.done $0x0  }
0x3f: {  	[sflag:s24] =	ssyncadd.s32 $0xFFFFF000  }
0x40: {  	[spmem:s12] =	stream.linear.scatter [tilespmem:s26], [sflag:$0x5], $0x1000, $0x38;
	[tilespmem:$0x1D700] =	vst v63  }
0x41: {  	_ =	swait.ge [sflag:s24], $0x1000  }
0x42: {  	[sflag:s24] =	ssyncset.done $0x0  }
0x43: {  	[sflag:s24] =	ssyncadd.s32 $0xFFFFF000  }
0x44: {  	[spmem:s14] =	stream.linear.scatter [tilespmem:s26], [sflag:$0x5], $0x1000, $0x38;
	[tilespmem:$0x1D700] =	vst v63  }
0x45: {  	_ =	swait.ge [sflag:s24], $0x1000  }
0x46: {  	[sflag:s24] =	ssyncset.done $0x0  }
0x47: {  	[sflag:s24] =	ssyncadd.s32 $0xFFFFF000  }
0x48: {  	[spmem:s16] =	stream.linear.scatter [tilespmem:s26], [sflag:$0x5], $0x1000, $0x38;
	[tilespmem:$0x1D700] =	vst v63  }
0x49: {  	_ =	swait.ge [sflag:s24], $0x1000  }
0x4a: {  	[sflag:s24] =	ssyncset.done $0x0  }
0x4b: {  	[sflag:s24] =	ssyncadd.s32 $0xFFFFF000  }
0x4c: {  	[spmem:s17] =	stream.linear.scatter [tilespmem:s26], [sflag:$0x5], $0x1000, $0x38;
	[tilespmem:$0x1D700] =	vst v63  }
0x4d: {  	_ =	swait.ge [sflag:s24], $0x1000  }
0x4e: {  	[sflag:s24] =	ssyncset.done $0x0  }
0x4f: {  	s7 =	simm.s32 @p0 $0x4;
	[sflag:s24] =	ssyncadd.s32 $0xFFFFF000  }
0x50: {  	_ =	swait.ge @p0 [sflag:s7], $0x820  }
0x51: {  	[sflag:s7] =	ssyncset.done @p0 $0x0  }
0x52: {  	[sflag:s7] =	ssyncadd.s32 @p0 $0xFFFFF7E0;
	s7 =	simm.s32 @!p0 $0x4  }
0x53: {  	_ =	swait.ge @!p0 [sflag:s7], $0x9E0  }
0x54: {  	[sflag:s7] =	ssyncset.done @!p0 $0x0  }
0x55: {  	[sflag:s7] =	ssyncadd.s32 @!p0 $0xFFFFF620  }
0x56: {  	s7 =	simm.s32 $0x0;
	[bflag:$0x0] =	sbarrier.arrive $0xFFFF  }
0x57: {  	[tilespmem:s26], [sflag:$0x1] =	stream.indirect.gather [spmem:s2], $0x20, s7, s28, $0xb8;
	[tilespmem:$0x1D700] =	vst v63  }
0x58: {  	_ = 	snop  }
0x59: {  	[tilespmem:s29], [sflag:$0x2] =	stream.indirect.gather [spmem:s2], $0x20, s28, s28, $0xb8;
	[tilespmem:$0x1D700] =	vst v63  }
.LBB2_6:
0x5a: {  	_ =	swait.ge [sflag:s30], $0x1000  }
0x5b: {  	s10 =	sshra.s32 s7, $0x2;
	[sflag:s30] =	ssyncset.done $0x0  }
0x5c: {  	s13 =	sadd.s32 $0x5000, s10;
	[sflag:s30] =	ssyncadd.s32 $0xFFFFF000  }
0x5d: {  	[spmem:s3] =	stream.indirect.scatter.add.f32 [tilespmem:s26], [sflag:$0x3], $0x20, s13, s28, $0xb8;
	[tilespmem:$0x1D700] =	vst v63  }
0x5e: {  	_ =	swait.ge [sflag:s31], $0x1000  }
0x5f: {  	[sflag:s31] =	ssyncset.done $0x0  }
0x60: {  	s19 =	sadd.s32 $0x5080, s10;
	[sflag:s31] =	ssyncadd.s32 $0xFFFFF000  }
0x61: {  	[spmem:s3] =	stream.indirect.scatter.add.f32 [tilespmem:s29], [sflag:$0x3], $0x20, s19, s28, $0xb8;
	[tilespmem:$0x1D700] =	vst v63  }
0x62: {  	v2 =	vld [tilespmem:s10+$0x5000];
	_ =	sdelay $0x7  }
0x63: {  	[tilespmem:v2+s0+$0x0] =	vst.idx.add.f32.msk $0xffff, v1  }
0x64: {  	v2 =	vld [tilespmem:s10+$0x5010];
	_ =	sdelay $0x7  }
0x65: {  	[tilespmem:v2+s0+$0x0] =	vst.idx.add.f32.msk $0xffff, v1  }
0x66: {  	v2 =	vld [tilespmem:s10+$0x5020];
	_ =	sdelay $0x7  }
0x67: {  	[tilespmem:v2+s0+$0x0] =	vst.idx.add.f32.msk $0xffff, v1  }
0x68: {  	v2 =	vld [tilespmem:s10+$0x5030];
	_ =	sdelay $0x7  }
0x69: {  	[tilespmem:v2+s0+$0x0] =	vst.idx.add.f32.msk $0xffff, v1  }
0x6a: {  	v2 =	vld [tilespmem:s10+$0x5040];
	_ =	sdelay $0x7  }
0x6b: {  	[tilespmem:v2+s0+$0x0] =	vst.idx.add.f32.msk $0xffff, v1  }
0x6c: {  	v2 =	vld [tilespmem:s10+$0x5050];
	_ =	sdelay $0x7  }
0x6d: {  	[tilespmem:v2+s0+$0x0] =	vst.idx.add.f32.msk $0xffff, v1  }
0x6e: {  	v2 =	vld [tilespmem:s10+$0x5060];
	_ =	sdelay $0x7  }
0x6f: {  	[tilespmem:v2+s0+$0x0] =	vst.idx.add.f32.msk $0xffff, v1  }
0x70: {  	v2 =	vld [tilespmem:s10+$0x5070];
	_ =	sdelay $0x7  }
0x71: {  	[tilespmem:v2+s0+$0x0] =	vst.idx.add.f32.msk $0xffff, v1  }
0x72: {  	_ =	swait.ge [sflag:s25], $0x1000  }
0x73: {  	[sflag:s25] =	ssyncset.done $0x0  }
0x74: {  	s20 =	sadd.s32 $0x100, s10;
	[sflag:s25] =	ssyncadd.s32 $0xFFFFF000  }
0x75: {  	[tilespmem:s26], [sflag:$0x1] =	stream.indirect.gather [spmem:s2], $0x20, s20, s28, $0xb8;
	[tilespmem:$0x1D700] =	vst v63  }
0x76: {  	v2 =	vld [tilespmem:s10+$0x5080];
	_ =	sdelay $0x7  }
0x77: {  	[tilespmem:v2+s0+$0x0] =	vst.idx.add.f32.msk $0xffff, v1  }
0x78: {  	v2 =	vld [tilespmem:s10+$0x5090];
	_ =	sdelay $0x7  }
0x79: {  	[tilespmem:v2+s0+$0x0] =	vst.idx.add.f32.msk $0xffff, v1  }
0x7a: {  	v2 =	vld [tilespmem:s10+$0x50A0];
	_ =	sdelay $0x7  }
0x7b: {  	[tilespmem:v2+s0+$0x0] =	vst.idx.add.f32.msk $0xffff, v1  }
0x7c: {  	v2 =	vld [tilespmem:s10+$0x50B0];
	_ =	sdelay $0x7  }
0x7d: {  	[tilespmem:v2+s0+$0x0] =	vst.idx.add.f32.msk $0xffff, v1  }
0x7e: {  	v2 =	vld [tilespmem:s10+$0x50C0];
	_ =	sdelay $0x7  }
0x7f: {  	[tilespmem:v2+s0+$0x0] =	vst.idx.add.f32.msk $0xffff, v1  }
0x80: {  	v2 =	vld [tilespmem:s10+$0x50D0];
	_ =	sdelay $0x7  }
0x81: {  	[tilespmem:v2+s0+$0x0] =	vst.idx.add.f32.msk $0xffff, v1  }
0x82: {  	v2 =	vld [tilespmem:s10+$0x50E0];
	_ =	sdelay $0x7  }
0x83: {  	[tilespmem:v2+s0+$0x0] =	vst.idx.add.f32.msk $0xffff, v1  }
0x84: {  	v2 =	vld [tilespmem:s10+$0x50F0];
	_ =	sdelay $0x6  }
0x85: {  	p1 =	sne.s32 s7, $0x13800  }
.Ltmp2:
0x86: {  	[tilespmem:v2+s0+$0x0] =	vst.idx.add.f32.msk $0xffff, v1;
	(pc) =	sbr.rel @p1 .LBB2_6-.Ltmp2, $4  }
0x87: {  	_ =	swait.ge [sflag:s25], $0x1000  }
0x88: {  	[sflag:s25] =	ssyncset.done $0x0  }
0x89: {  	s7 =	sadd.s32 $0x400, s7;
	s10 =	sadd.s32 $0x180, s10;
	[sflag:s25] =	ssyncadd.s32 $0xFFFFF000  }
0x8a: {  	[tilespmem:s29], [sflag:$0x2] =	stream.indirect.gather [spmem:s2], $0x20, s10, s28, $0xb8;
	[tilespmem:$0x1D700] =	vst v63  }
0x8b: {  	_ =	swait.ge [sflag:s30], $0x1000  }
0x8c: {  	[sflag:s30] =	ssyncset.done $0x0  }
0x8d: {  	[sflag:s30] =	ssyncadd.s32 $0xFFFFF000  }
0x8e: {  	_ =	swait.ge [sflag:s31], $0x1000  }
0x8f: {  	[sflag:s31] =	ssyncset.done $0x0  }
0x90: {  	[sflag:s31] =	ssyncadd.s32 $0xFFFFF000  }
0x91: {  	s7 =	sshll.u32 s1, $0x6;
	[bflag:$0x0] =	sbarrier.arrive $0xFFFF  }
0x92: {  	s10 =	sshrl.u32 s11, $0x3;
	s7 =	sor.u32 $0x1C05, s7;
	s13 =	rddreg [dreg:$0xf]  }
0x93: {  	[hbm:s13], [sflag:s7] =	dma.local [spmem:s10], $0xA00  }
0x94: {  	_ =	swait.ge [sflag:s24], $0xA00  }
0x95: {  	[sflag:s24] =	ssyncset.done $0x0  }
0x96: {  	s20 =	rddreg [dreg:$0x10];
	[sflag:s24] =	ssyncadd.s32 $0xFFFFF600  }
0x97: {  	[spmem:s20] =	stream.linear.scatter [tilespmem:s0], [sflag:$0x5], $0x2800, $0x38;
	[tilespmem:$0x1D700] =	vst v63  }
0x98: {  	_ =	swait.ge [sflag:s24], $0x2800  }
0x99: {  	[sflag:s24] =	ssyncset.done $0x0  }
0x9a: {  	[sflag:s24] =	ssyncadd.s32 $0xFFFFD800  }
0x9b: {  	s15 =	simm.s32 @p0 $0x4;
	s18 =	simm.s32 @p0 $0x10;
	[bflag:$0x0] =	sbarrier.arrive $0xFFFF  }
0x9c: {  	s19 =	simm.s32 @p0 $0x1FC4;
	s13 =	simm.s32 @p0 $0x1;
	s20 =	rddreg [dreg:$0xe]  }
0x9d: {  	[spmem:s6@s15], [sflag:s19] =	dma.strided @p0 [hbm:s20@s18], $0x820, s13, $0x4   }
0x9e: {  	s6 =	simm.s32 @!p0 $0x1  }
0x9f: {  	s13 =	simm.s32 @!p0 $0x4;
	s15 =	simm.s32 @!p0 $0x10;
	s18 =	rddreg [dreg:$0xd]  }
0xa0: {  	[spmem:s9@s13], [sflag:s8] =	dma.strided @!p0 [hbm:s18@s15], $0x9E0, s6, $0x4   }
0xa1: {  	s6 =	simm.s32 $0x80;
	s8 =	simm.s32 $0x0  }
.LBB2_8:
0xa2: {  	p1 =	sne.s32 s6, $0x3F80;
	[tilespmem:s8+$0x9F00] =	vst v0;
	s9 =	smov.u32 s6;
	s6 =	sadd.s32 $0x80, s6  }
.Ltmp3:
0xa3: {  	[tilespmem:s8+$0x9F10] =	vst v0;
	(pc) =	sbr.rel @p1 .LBB2_8-.Ltmp3, $2  }
0xa4: {  	_ =	sdelay $0x2  }
0xa5: {  	s8 =	sshra.s32 s9, $0x2  }
0xa6: {  	[tilespmem:s8+$0x9F00] =	vst v0  }
0xa7: {  	[tilespmem:s8+$0x9F10] =	vst v0  }
0xa8: {  	[spmem:s11] =	stream.linear.scatter [tilespmem:s26], [sflag:$0x5], $0x1000, $0x38;
	[tilespmem:$0x1D700] =	vst v63  }
0xa9: {  	_ =	swait.ge [sflag:s24], $0x1000  }
0xaa: {  	[sflag:s24] =	ssyncset.done $0x0  }
0xab: {  	[sflag:s24] =	ssyncadd.s32 $0xFFFFF000  }
0xac: {  	[spmem:s12] =	stream.linear.scatter [tilespmem:s26], [sflag:$0x5], $0x1000, $0x38;
	[tilespmem:$0x1D700] =	vst v63  }
0xad: {  	_ =	swait.ge [sflag:s24], $0x1000  }
0xae: {  	[sflag:s24] =	ssyncset.done $0x0  }
0xaf: {  	[sflag:s24] =	ssyncadd.s32 $0xFFFFF000  }
0xb0: {  	[spmem:s14] =	stream.linear.scatter [tilespmem:s26], [sflag:$0x5], $0x1000, $0x38;
	[tilespmem:$0x1D700] =	vst v63  }
0xb1: {  	_ =	swait.ge [sflag:s24], $0x1000  }
0xb2: {  	[sflag:s24] =	ssyncset.done $0x0  }
0xb3: {  	[sflag:s24] =	ssyncadd.s32 $0xFFFFF000  }
0xb4: {  	[spmem:s16] =	stream.linear.scatter [tilespmem:s26], [sflag:$0x5], $0x1000, $0x38;
	[tilespmem:$0x1D700] =	vst v63  }
0xb5: {  	_ =	swait.ge [sflag:s24], $0x1000  }
0xb6: {  	[sflag:s24] =	ssyncset.done $0x0  }
0xb7: {  	[sflag:s24] =	ssyncadd.s32 $0xFFFFF000  }
0xb8: {  	[spmem:s17] =	stream.linear.scatter [tilespmem:s26], [sflag:$0x5], $0x1000, $0x38;
	[tilespmem:$0x1D700] =	vst v63  }
0xb9: {  	_ =	swait.ge [sflag:s24], $0x1000  }
0xba: {  	[sflag:s24] =	ssyncset.done $0x0  }
0xbb: {  	s6 =	simm.s32 @p0 $0x4;
	[sflag:s24] =	ssyncadd.s32 $0xFFFFF000  }
0xbc: {  	_ =	swait.ge @p0 [sflag:s6], $0x820  }
0xbd: {  	[sflag:s6] =	ssyncset.done @p0 $0x0  }
0xbe: {  	[sflag:s6] =	ssyncadd.s32 @p0 $0xFFFFF7E0;
	s6 =	simm.s32 @!p0 $0x4  }
0xbf: {  	_ =	swait.ge @!p0 [sflag:s6], $0x9E0  }
0xc0: {  	[sflag:s6] =	ssyncset.done @!p0 $0x0  }
0xc1: {  	[sflag:s6] =	ssyncadd.s32 @!p0 $0xFFFFF620  }
0xc2: {  	s15 =	simm.s32 $0x0;
	[bflag:$0x0] =	sbarrier.arrive $0xFFFF  }
0xc3: {  	[tilespmem:s26], [sflag:$0x1] =	stream.indirect.gather [spmem:s2], $0x20, s15, s28, $0xb8;
	[tilespmem:$0x1D700] =	vst v63  }
0xc4: {  	_ = 	snop  }
0xc5: {  	[tilespmem:s29], [sflag:$0x2] =	stream.indirect.gather [spmem:s2], $0x20, s28, s28, $0xb8;
	[tilespmem:$0x1D700] =	vst v63  }
0xc6: {  	_ =	swait.ge [sflag:s30], $0x1000  }
0xc7: {  	[sflag:s30] =	ssyncset.done $0x0  }
0xc8: {  	s18 =	simm.s32 $0x5000;
	[sflag:s30] =	ssyncadd.s32 $0xFFFFF000  }
0xc9: {  	[spmem:s3] =	stream.indirect.scatter.add.f32 [tilespmem:s26], [sflag:$0x3], $0x20, s18, s28, $0xb8;
	[tilespmem:$0x1D700] =	vst v63  }
0xca: {  	_ =	swait.ge [sflag:s31], $0x1000  }
0xcb: {  	[sflag:s31] =	ssyncset.done $0x0  }
0xcc: {  	s19 =	simm.s32 $0x5080;
	[sflag:s31] =	ssyncadd.s32 $0xFFFFF000  }
0xcd: {  	[spmem:s3] =	stream.indirect.scatter.add.f32 [tilespmem:s29], [sflag:$0x3], $0x20, s19, s28, $0xb8;
	[tilespmem:$0x1D700] =	vst v63  }
0xce: {  	_ =	swait.ge [sflag:s25], $0x1000  }
0xcf: {  	[sflag:s25] =	ssyncset.done $0x0  }
0xd0: {  	s20 =	simm.s32 $0x100;
	[sflag:s25] =	ssyncadd.s32 $0xFFFFF000  }
0xd1: {  	[tilespmem:s26], [sflag:$0x1] =	stream.indirect.gather [spmem:s2], $0x20, s20, s28, $0xb8;
	[tilespmem:$0x1D700] =	vst v63  }
0xd2: {  	_ =	swait.ge [sflag:s25], $0x1000  }
0xd3: {  	[sflag:s25] =	ssyncset.done $0x0  }
0xd4: {  	s8 =	simm.s32 $0x180;
	s6 =	simm.s32 $0x400;
	[sflag:s25] =	ssyncadd.s32 $0xFFFFF000  }
.LBB2_10:
0xd5: {  	[tilespmem:s29], [sflag:$0x2] =	stream.indirect.gather [spmem:s2], $0x20, s8, s28, $0xb8;
	[tilespmem:$0x1D700] =	vst v63  }
0xd6: {  	s8 =	smov.u32 s6  }
0xd7: {  	p1 =	sne.s32 s6, $0x13800;
	s6 =	sadd.s32 $0x400, s6;
	_ =	swait.ge [sflag:s30], $0x1000  }
0xd8: {  	s8 =	sshra.s32 s8, $0x2;
	[sflag:s30] =	ssyncset.done $0x0  }
0xd9: {  	s9 =	sadd.s32 $0x5000, s8;
	[sflag:s30] =	ssyncadd.s32 $0xFFFFF000  }
0xda: {  	[spmem:s3] =	stream.indirect.scatter.add.f32 [tilespmem:s26], [sflag:$0x3], $0x20, s9, s28, $0xb8;
	[tilespmem:$0x1D700] =	vst v63  }
0xdb: {  	_ =	swait.ge [sflag:s31], $0x1000  }
0xdc: {  	[sflag:s31] =	ssyncset.done $0x0  }
0xdd: {  	s9 =	sadd.s32 $0x5080, s8;
	[sflag:s31] =	ssyncadd.s32 $0xFFFFF000  }
0xde: {  	[spmem:s3] =	stream.indirect.scatter.add.f32 [tilespmem:s29], [sflag:$0x3], $0x20, s9, s28, $0xb8;
	[tilespmem:$0x1D700] =	vst v63  }
0xdf: {  	_ =	swait.ge [sflag:s25], $0x1000  }
0xe0: {  	[sflag:s25] =	ssyncset.done $0x0  }
.Ltmp4:
0xe1: {  	s9 =	sadd.s32 $0x100, s8;
	[sflag:s25] =	ssyncadd.s32 $0xFFFFF000;
	(pc) =	sbr.rel @p1 .LBB2_10-.Ltmp4, $4  }
0xe2: {  	[tilespmem:s26], [sflag:$0x1] =	stream.indirect.gather [spmem:s2], $0x20, s9, s28, $0xb8;
	[tilespmem:$0x1D700] =	vst v63  }
0xe3: {  	_ =	swait.ge [sflag:s25], $0x1000  }
0xe4: {  	[sflag:s25] =	ssyncset.done $0x0  }
0xe5: {  	s8 =	sadd.s32 $0x180, s8;
	[sflag:s25] =	ssyncadd.s32 $0xFFFFF000  }
0xe6: {  	[tilespmem:s29], [sflag:$0x2] =	stream.indirect.gather [spmem:s2], $0x20, s8, s28, $0xb8;
	[tilespmem:$0x1D700] =	vst v63  }
0xe7: {  	_ =	swait.ge [sflag:s30], $0x1000  }
0xe8: {  	[sflag:s30] =	ssyncset.done $0x0  }
0xe9: {  	[sflag:s30] =	ssyncadd.s32 $0xFFFFF000  }
0xea: {  	_ =	swait.ge [sflag:s31], $0x1000  }
0xeb: {  	[sflag:s31] =	ssyncset.done $0x0  }
0xec: {  	[sflag:s31] =	ssyncadd.s32 $0xFFFFF000  }
0xed: {  	[bflag:$0x0] =	sbarrier.arrive $0xFFFF  }
0xee: {  	s6 =	rddreg [dreg:$0x11]  }
0xef: {  	[hbm:s6], [sflag:s7] =	dma.local [spmem:s10], $0xA00  }
0xf0: {  	_ =	swait.ge [sflag:s24], $0xA00  }
0xf1: {  	s18 =	simm.s32 $0x280;
	[sflag:s24] =	ssyncset.done $0x0  }
0xf2: {  	s19 =	simm.s32 $0x2800;
	s20 =	simm.s32 $0xE700;
	[sflag:s24] =	ssyncadd.s32 $0xFFFFF600  }
0xf3: {  	[tilespmem:s20], [sflag:$0x5] =	stream.strided.gather [spmem:s21], $0x2800, s19, s18, $0x38;
	[tilespmem:$0x1D700] =	vst v63  }
0xf4: {  	_ =	swait.ge [sflag:s24], $0x2800  }
0xf5: {  	[sflag:s24] =	ssyncset.done $0x0  }
0xf6: {  	s7 =	simm.s32 $0x0;
	[sflag:s24] =	ssyncadd.s32 $0xFFFFD800  }
0xf7: {  	v2 =	vld [tilespmem:s7+$0xE700]  }
0xf8: {  	v3 =	vld [tilespmem:s7+$0xE980];
	_ =	sdelay $0x1  }
0xf9: {  	v4 =	vld [tilespmem:s7+$0xEC00];
	_ =	sdelay $0x1  }
0xfa: {  	v5 =	vld [tilespmem:s7+$0xEE80]  }
0xfb: {  	v2 =	vadd.f32 v3, v2  }
0xfc: {  	v3 =	vld [tilespmem:s7+$0xF100]  }
0xfd: {  	v2 =	vadd.f32 v4, v2  }
0xfe: {  	v4 =	vld [tilespmem:s7+$0xF380]  }
0xff: {  	v2 =	vadd.f32 v5, v2  }
0x100: {  	v5 =	vld [tilespmem:s7+$0xF600]  }
0x101: {  	v2 =	vadd.f32 v3, v2  }
0x102: {  	v3 =	vld [tilespmem:s7+$0xF880]  }
0x103: {  	s6 =	simm.s32 $0x10;
	v6 =	vld [tilespmem:s7+$0xFB00];
	v2 =	vadd.f32 v4, v2  }
0x104: {  	v7 =	vld [tilespmem:s6+$0xE700]  }
0x105: {  	v4 =	vld [tilespmem:s7+$0xFD80];
	v2 =	vadd.f32 v5, v2  }
0x106: {  	v5 =	vld [tilespmem:s6+$0xE980]  }
0x107: {  	v8 =	vld [tilespmem:s6+$0xEC00];
	v2 =	vadd.f32 v3, v2  }
0x108: {  	v3 =	vld [tilespmem:s7+$0x10000]  }
0x109: {  	v9 =	vld [tilespmem:s6+$0xEE80];
	v2 =	vadd.f32 v6, v2  }
0x10a: {  	v6 =	vld [tilespmem:s7+$0x10280]  }
0x10b: {  	v5 =	vadd.f32 v5, v7;
	v7 =	vld [tilespmem:s6+$0xF100];
	v2 =	vadd.f32 v4, v2  }
0x10c: {  	v4 =	vld [tilespmem:s7+$0x10500]  }
0x10d: {  	v5 =	vadd.f32 v8, v5;
	v8 =	vld [tilespmem:s6+$0xF380];
	v2 =	vadd.f32 v3, v2  }
0x10e: {  	v3 =	vld [tilespmem:s7+$0x10780]  }
0x10f: {  	v10 =	vld [tilespmem:s6+$0xF600];
	v5 =	vadd.f32 v9, v5;
	v2 =	vadd.f32 v6, v2  }
0x110: {  	v9 =	vld [tilespmem:s7+$0x10A00]  }
0x111: {  	v6 =	vadd.f32 v7, v5;
	v5 =	vld [tilespmem:s6+$0xF880];
	v7 =	vadd.f32 v4, v2  }
0x112: {  	v4 =	vld [tilespmem:s7+$0x10C80]  }
0x113: {  	v2 =	vld [tilespmem:s6+$0xFD80];
	v8 =	vadd.f32 v8, v6;
	v11 =	vadd.f32 v3, v7  }
0x114: {  	s8 =	simm.s32 $0x20;
	v6 =	vld [tilespmem:s6+$0xFB00]  }
0x115: {  	s9 =	simm.s32 $0xC0;
	v3 =	vld [tilespmem:s8+$0xE700];
	v7 =	vadd.f32 v10, v8;
	v8 =	vadd.f32 v9, v11  }
.LBB2_12:
0x116: {  	p1 =	sne.s32 s9, $0x9C0;
	v9 =	vld [tilespmem:s8+$0xE980]  }
0x117: {  	v5 =	vadd.f32 v5, v7;
	v7 =	vld [tilespmem:s6+$0x10000];
	v4 =	vadd.f32 v4, v8  }
0x118: {  	v8 =	vld [tilespmem:s8+$0xEC00]  }
0x119: {  	v5 =	vadd.f32 v6, v5;
	v6 =	vld [tilespmem:s6+$0x10280];
	[tilespmem:s7+$0xBF00] =	vst v4;
	s7 =	smov.u32 s6;
	s6 =	smov.u32 s8  }
0x11a: {  	v4 =	vld [tilespmem:s6+$0xEE80]  }
0x11b: {  	v3 =	vadd.f32 v9, v3;
	v2 =	vadd.f32 v2, v5;
	v5 =	vld [tilespmem:s7+$0x10500]  }
0x11c: {  	v9 =	vld [tilespmem:s6+$0xF100]  }
0x11d: {  	v3 =	vadd.f32 v8, v3;
	v2 =	vadd.f32 v7, v2;
	v7 =	vld [tilespmem:s7+$0x10780]  }
0x11e: {  	v8 =	vld [tilespmem:s6+$0xF380]  }
0x11f: {  	v3 =	vadd.f32 v4, v3;
	v2 =	vadd.f32 v6, v2;
	v10 =	vld [tilespmem:s7+$0x10A00]  }
0x120: {  	v11 =	vld [tilespmem:s6+$0xF600]  }
.Ltmp5:
0x121: {  	v3 =	vadd.f32 v9, v3;
	v6 =	vadd.f32 v5, v2;
	v4 =	vld [tilespmem:s7+$0x10C80];
	(pc) =	sbr.rel @p1 .LBB2_12-.Ltmp5, $4  }
0x122: {  	v5 =	vld [tilespmem:s6+$0xF880]  }
0x123: {  	v8 =	vadd.f32 v8, v3;
	v2 =	vld [tilespmem:s6+$0xFD80];
	v9 =	vadd.f32 v7, v6  }
0x124: {  	s8 =	sshra.s32 s9, $0x2;
	v6 =	vld [tilespmem:s6+$0xFB00]  }
0x125: {  	s9 =	sadd.s32 $0x40, s9;
	v3 =	vld [tilespmem:s8+$0xE700];
	v7 =	vadd.f32 v11, v8;
	v8 =	vadd.f32 v10, v9  }
0x126: {  	v9 =	vld [tilespmem:s8+$0xE980]  }
0x127: {  	v10 =	vld [tilespmem:s6+$0x10000];
	v4 =	vadd.f32 v4, v8  }
0x128: {  	v49 =	vld [tilespmem:s8+$0xEC00]  }
0x129: {  	v11 =	vld [tilespmem:s6+$0x10280];
	v5 =	vadd.f32 v5, v7;
	[tilespmem:s7+$0xBF00] =	vst v4  }
0x12a: {  	v4 =	vld [tilespmem:s8+$0xEE80]  }
0x12b: {  	v5 =	vadd.f32 v6, v5;
	v3 =	vadd.f32 v9, v3  }
0x12c: {  	v50 =	vld [tilespmem:s8+$0xF100]  }
0x12d: {  	v51 =	vld [tilespmem:s6+$0x10500];
	v2 =	vadd.f32 v2, v5;
	v3 =	vadd.f32 v49, v3  }
0x12e: {  	v52 =	vld [tilespmem:s8+$0xF380]  }
0x12f: {  	v53 =	vld [tilespmem:s6+$0x10780];
	v2 =	vadd.f32 v10, v2;
	v3 =	vadd.f32 v4, v3  }
0x130: {  	v54 =	vld [tilespmem:s8+$0xF600]  }
0x131: {  	v55 =	vld [tilespmem:s6+$0x10A00];
	v2 =	vadd.f32 v11, v2;
	v3 =	vadd.f32 v50, v3  }
0x132: {  	v56 =	vld [tilespmem:s8+$0xF880]  }
0x133: {  	v57 =	vld [tilespmem:s6+$0x10C80];
	v2 =	vadd.f32 v51, v2;
	v3 =	vadd.f32 v52, v3  }
0x134: {  	v58 =	vld [tilespmem:s8+$0xFB00]  }
0x135: {  	v2 =	vadd.f32 v53, v2;
	v3 =	vadd.f32 v54, v3  }
0x136: {  	v59 =	vld [tilespmem:s8+$0xFD80]  }
0x137: {  	v2 =	vadd.f32 v55, v2;
	v3 =	vadd.f32 v56, v3  }
0x138: {  	v60 =	vld [tilespmem:s8+$0x10000]  }
0x139: {  	v2 =	vadd.f32 v57, v2;
	v3 =	vadd.f32 v58, v3  }
0x13a: {  	v61 =	vld [tilespmem:s8+$0x10280]  }
0x13b: {  	[tilespmem:s6+$0xBF00] =	vst v2;
	v2 =	vadd.f32 v59, v3  }
0x13c: {  	v3 =	vld [tilespmem:s8+$0x10500]  }
0x13d: {  	v2 =	vadd.f32 v60, v2  }
0x13e: {  	v62 =	vld [tilespmem:s8+$0x10780]  }
0x13f: {  	v2 =	vadd.f32 v61, v2  }
0x140: {  	v63 =	vld [tilespmem:s8+$0x10A00]  }
0x141: {  	v2 =	vadd.f32 v3, v2  }
0x142: {  	v3 =	vld [tilespmem:s8+$0x10C80]  }
0x143: {  	v2 =	vadd.f32 v62, v2;
	_ =	sdelay $0x1  }
0x144: {  	v2 =	vadd.f32 v63, v2;
	_ =	sdelay $0x1  }
0x145: {  	s5 =	sadd.s32 $0x1, s5;
	v2 =	vadd.f32 v3, v2  }
0x146: {  	p1 =	sne.s32 s5, s23  }
.Ltmp6:
0x147: {  	[tilespmem:s8+$0xBF00] =	vst v2;
	(pc) =	sbr.rel @p1 .LBB2_1-.Ltmp6, $4  }
0x148: {  	[hbm4b:s22+s4] =	stream.linear.scatter [tilespmem:s0], [sflag:$0x5], $0x280, $0x38;
	[tilespmem:$0x1D700] =	vst v63  }
0x149: {  	_ =	swait.ge [sflag:s24], $0x280  }
0x14a: {  	[sflag:s24] =	ssyncset.done $0x0  }
0x14b: {  	[sflag:s24] =	ssyncadd.s32 $0xFFFFFD80  }
0x14c: {  	_ =	sfence.sel $0x180000  }
0x14d: {  	[bflag:$0x0] =	sbarrier.arrive $0xFFFF  }
0x14e: {  	_ =	strace $0x90000047  }
0x14f: {  	[bflag:$0x2] =	sbarrier.arrive $0xFFFF  }
0x150: {  	p0 =	sne.s32 s1, $0x0;
	s0 =	rddreg [dreg:$0x6]  }
0x151: {  	s0 =	sadd.s32 @!p0 $0x100000, s0  }
0x152: {  	[sflag:s0] =	ssyncadd.tile.s32 @!p0 $0x1;
	_ =	shalt  }
.Lfunc_end2:
_tile_overlayer_lowered:
.L_overlay_start_2:
0x153: {  	(tag) =	ssettag $0x2  }
0x154: {  	s0 =	rddreg [dreg:$0x0];
	s2 =	stileid.u32  }
0x155: {  	s1 =	rddreg [dreg:$0x1];
	p0 =	sne.s32 s2, $0x0  }
0x156: {  	s3 =	rddreg [dreg:$0x2];
	[bflag:$0x3] =	sbarrier.arrive $0xFFFF;
	s2 =	simm.s32 @!p0 $0x1C05  }
0x157: {  	[timem:s3], [sflag:s2] =	dma.local @!p0 [hbm:s0], s1  }
0x158: {  	s0 =	simm.s32 @!p0 $0x5  }
0x159: {  	_ =	swait.ge @!p0 [sflag:s0], s1  }
0x15a: {  	s1 =	ssub.s32 @!p0 $0x0, s1;
	[sflag:s0] =	ssyncset.done @!p0 $0x0  }
0x15b: {  	[sflag:s0] =	ssyncadd.s32 @!p0 s1  }
0x15c: {  	[bflag:$0x3] =	sbarrier.arrive $0xFFFF  }
0x15d: {  	_ =	shalt  }

</sc_bundles>
